<compile_context>
chip_gen: v7x
topology: tpu7x:2x2x1
jax: 0.10.2.dev20260603
libtpu: 0.0.44.dev20260713+nightly
codegen_flags: <defaults>
</compile_context>

<pallas_src>
import functools

import jax
import jax.numpy as jnp
from jax import lax
from jax.experimental import pallas as pl
from jax.experimental.pallas import tpu as pltpu
from jax.experimental.pallas import tpu_sc as plsc


@functools.cache
def _build(V, D, B):
    info = plsc.get_sparse_core_info()
    NC, NS = info.num_cores, info.num_subcores
    NW = NC * NS
    assert B % NW == 0
    b_per_w = B // NW
    C = 128
    R = 128
    NBUF = 7
    G = R // C
    assert b_per_w % R == 0
    n_super = b_per_w // R
    n_chunks = b_per_w // C
    n_turns = -(-n_super // NBUF)

    mesh = plsc.VectorSubcoreMesh(core_axis_name="c", subcore_axis_name="s")

    @functools.partial(
        pl.kernel,
        out_type=jax.ShapeDtypeStruct((B, D), jnp.float32),
        mesh=mesh,
        scratch_types=[
            pltpu.VMEM((n_chunks, C), jnp.int32),
            [pltpu.VMEM((R, D), jnp.float32) for _ in range(NBUF)],
            [pltpu.SemaphoreType.DMA for _ in range(NBUF)],
            [pltpu.SemaphoreType.DMA for _ in range(NBUF)],
        ],
    )
    def gather_kernel(idx_hbm, table_hbm, out_hbm, idx_v, rows, sem_in, sem_out):
        wid = lax.axis_index("s") * NC + lax.axis_index("c")
        base = wid * b_per_w
        pltpu.sync_copy(idx_hbm.at[wid], idx_v)

        def fill(b, i):
            for g in range(G):
                pltpu.async_copy(
                    table_hbm.at[idx_v.at[i * G + g]],
                    rows[b].at[pl.ds(g * C, C)],
                    sem_in[b],
                )

        def wait_fill(b):
            for g in range(G):
                pltpu.make_async_copy(
                    table_hbm.at[idx_v.at[0]], rows[b].at[pl.ds(0, C)], sem_in[b]
                ).wait()

        def wait_drain(b):
            pltpu.make_async_copy(rows[b], out_hbm.at[pl.ds(base, R)], sem_out[b]).wait()

        for b in range(NBUF):
            if b < n_super:
                fill(b, b)

        def turn(j, carry):
            for b in range(NBUF):
                i = j * NBUF + b

                @pl.when(i < n_super)
                def _():
                    wait_fill(b)
                    pltpu.async_copy(
                        rows[b], out_hbm.at[pl.ds(base + i * R, R)], sem_out[b]
                    )

            for b in range(NBUF):
                i_next = (j + 1) * NBUF + b

                @pl.when(i_next < n_super)
                def _():
                    wait_drain(b)
                    fill(b, i_next)

            return carry

        lax.fori_loop(0, n_turns, turn, 0)
        for b in range(NBUF):
            if b < n_super:
                wait_drain(b)

    return gather_kernel, NW, n_chunks, C


def kernel(src_input, embeddings_table):
    BATCH, SEQ = src_input.shape
    V, D = embeddings_table.shape
    B = BATCH * SEQ
    gather_kernel, NW, n_chunks, C = _build(V, D, B)
    idx = src_input.reshape(NW, n_chunks, C).astype(jnp.int32)
    out = gather_kernel(idx, embeddings_table)
    return out.reshape(BATCH, SEQ, D)

# --- scband reference (transcript-rebuilt; emitter-appended) ---
"""Pipeline reference for scband-transformer-embedding-50903952392674 (READ-ONLY COPY).

The authoritative reference and input builder live on the scoring server;
editing this copy changes nothing except your own understanding.
"""

import jax, jax.numpy as jnp
import numpy as np

VOCAB = 100000
EMBED_DIM = 128
BATCH = 1024
SEQ = 200

def setup_inputs(seed: int = 0) -> dict:
    key = jax.random.key(seed)
    k1, k2 = jax.random.split(key)
    src_input = jax.random.randint(k1, (BATCH, SEQ), 0, VOCAB, dtype=jnp.int64 if jax.config.jax_enable_x64 else jnp.int32)
    embeddings_table = jax.random.normal(k2, (VOCAB, EMBED_DIM), dtype=jnp.float32)
    return {"src_input": src_input, "embeddings_table": embeddings_table}

def reference(src_input, embeddings_table):
    assert src_input.ndim == 2
    return jnp.take(embeddings_table, src_input, axis=0)

if __name__ == "__main__":
    import jax
    _d = setup_inputs()
    print(jax.jit(kernel)(*tuple(_d.values())))

</pallas_src>

<mosaic_0001>
#map = affine_map<(d0, d1) -> (0, 0, 0)>
#map1 = affine_map<(d0, d1) -> (0, 0)>
module attributes {stable_mosaic.version = 14 : i64} {
  func.func @gather_kernel(%arg0: i32, %arg1: i32, %arg2: memref<32x50x128xi32, #tpu.memory_space<hbm>>, %arg3: memref<100000x128xf32, #tpu.memory_space<hbm>>, %arg4: memref<204800x128xf32, #tpu.memory_space<hbm>>, %arg5: memref<50x128xi32, #tpu.memory_space<vmem>>, %arg6: memref<128x128xf32, #tpu.memory_space<vmem>>, %arg7: memref<128x128xf32, #tpu.memory_space<vmem>>, %arg8: memref<128x128xf32, #tpu.memory_space<vmem>>, %arg9: memref<128x128xf32, #tpu.memory_space<vmem>>, %arg10: memref<128x128xf32, #tpu.memory_space<vmem>>, %arg11: memref<128x128xf32, #tpu.memory_space<vmem>>, %arg12: memref<128x128xf32, #tpu.memory_space<vmem>>, %arg13: memref<!tpu.dma_semaphore, #tpu.memory_space<semaphore_mem>>, %arg14: memref<!tpu.dma_semaphore, #tpu.memory_space<semaphore_mem>>, %arg15: memref<!tpu.dma_semaphore, #tpu.memory_space<semaphore_mem>>, %arg16: memref<!tpu.dma_semaphore, #tpu.memory_space<semaphore_mem>>, %arg17: memref<!tpu.dma_semaphore, #tpu.memory_space<semaphore_mem>>, %arg18: memref<!tpu.dma_semaphore, #tpu.memory_space<semaphore_mem>>, %arg19: memref<!tpu.dma_semaphore, #tpu.memory_space<semaphore_mem>>, %arg20: memref<!tpu.dma_semaphore, #tpu.memory_space<semaphore_mem>>, %arg21: memref<!tpu.dma_semaphore, #tpu.memory_space<semaphore_mem>>, %arg22: memref<!tpu.dma_semaphore, #tpu.memory_space<semaphore_mem>>, %arg23: memref<!tpu.dma_semaphore, #tpu.memory_space<semaphore_mem>>, %arg24: memref<!tpu.dma_semaphore, #tpu.memory_space<semaphore_mem>>, %arg25: memref<!tpu.dma_semaphore, #tpu.memory_space<semaphore_mem>>, %arg26: memref<!tpu.dma_semaphore, #tpu.memory_space<semaphore_mem>>) attributes {dimension_semantics = [#tpu.dimension_semantics<core_parallel>, #tpu.dimension_semantics<subcore_parallel>], iteration_bounds = array<i64: 2, 16>, scalar_prefetch = 0 : i64, scratch_operands = 22 : i64, tpu.core_type = #tpu.core_type<sc_vector_subcore>, window_params = [{transform_indices = #map}, {transform_indices = #map1}, {transform_indices = #map1}]} {
    %mul3A = arith.constant 2 : i32
    %mul3A_0 = arith.muli %arg1, %mul3A : i32
    %add3A = arith.addi %mul3A_0, %arg0 : i32
    %mul3A_1 = arith.constant 6400 : i32
    %mul3A_2 = arith.muli %add3A, %mul3A_1 : i32
    "tpu.region"() ({
      %run_scoped3A = tpu.sem_alloc : memref<!tpu.dma_semaphore, #tpu.memory_space<semaphore_mem>>
      %dma_start3A_104 = arith.constant 0 : i32
      %dma_start3A_105 = arith.constant 0 : i32
      %dma_start3A_106 = tpu.memref_slice %arg2[%add3A, %dma_start3A_104, %dma_start3A_105] : memref<32x50x128xi32, #tpu.memory_space<hbm>> -> memref<1x50x128xi32, #tpu.memory_space<hbm>>
      %dma_start3A_107 = tpu.memref_squeeze %dma_start3A_106 : memref<1x50x128xi32, #tpu.memory_space<hbm>> -> memref<50x128xi32, #tpu.memory_space<hbm>>
      %dma_start3A_108 = arith.constant 0 : i32
      %dma_start3A_109 = arith.constant 0 : i32
      %dma_start3A_110 = tpu.memref_slice %arg2[%add3A, %dma_start3A_108, %dma_start3A_109] : memref<32x50x128xi32, #tpu.memory_space<hbm>> -> memref<1x50x128xi32, #tpu.memory_space<hbm>>
      %dma_start3A_111 = tpu.memref_squeeze %dma_start3A_110 : memref<1x50x128xi32, #tpu.memory_space<hbm>> -> memref<50x128xi32, #tpu.memory_space<hbm>>
      tpu.enqueue_dma source(%dma_start3A_111 : memref<50x128xi32, #tpu.memory_space<hbm>>) target(%arg5 : memref<50x128xi32, #tpu.memory_space<vmem>>) target_semaphore(%run_scoped3A : memref<!tpu.dma_semaphore, #tpu.memory_space<semaphore_mem>>)
      %dma_wait3A_112 = arith.constant 0 : i32
      %dma_wait3A_113 = arith.constant 0 : i32
      %dma_wait3A_114 = tpu.memref_slice %arg2[%add3A, %dma_wait3A_112, %dma_wait3A_113] : memref<32x50x128xi32, #tpu.memory_space<hbm>> -> memref<1x50x128xi32, #tpu.memory_space<hbm>>
      %dma_wait3A_115 = tpu.memref_squeeze %dma_wait3A_114 : memref<1x50x128xi32, #tpu.memory_space<hbm>> -> memref<50x128xi32, #tpu.memory_space<hbm>>
      %dma_wait3A_116 = arith.constant 0 : i32
      %dma_wait3A_117 = arith.constant 0 : i32
      %dma_wait3A_118 = tpu.memref_slice %arg2[%add3A, %dma_wait3A_116, %dma_wait3A_117] : memref<32x50x128xi32, #tpu.memory_space<hbm>> -> memref<1x50x128xi32, #tpu.memory_space<hbm>>
      %dma_wait3A_119 = tpu.memref_squeeze %dma_wait3A_118 : memref<1x50x128xi32, #tpu.memory_space<hbm>> -> memref<50x128xi32, #tpu.memory_space<hbm>>
      tpu.wait_dma2 semaphore(%run_scoped3A : memref<!tpu.dma_semaphore, #tpu.memory_space<semaphore_mem>>) src(%dma_wait3A_119 : memref<50x128xi32, #tpu.memory_space<hbm>>) dst(%arg5 : memref<50x128xi32, #tpu.memory_space<vmem>>)
      tpu.yield
    }) : () -> ()
    %dma_start3A = arith.constant 0 : i32
    %dma_start3A_3 = arith.constant 0 : i32
    %dma_start3A_4 = arith.constant 0 : i32
    %dma_start3A_5 = tpu.memref_slice %arg6[%dma_start3A_3, %dma_start3A_4] : memref<128x128xf32, #tpu.memory_space<vmem>> -> memref<128x128xf32, #tpu.memory_space<vmem>>
    %dma_start3A_6 = arith.constant 0 : i32
    %dma_start3A_7 = tpu.memref_slice %arg5[%dma_start3A, %dma_start3A_6] : memref<50x128xi32, #tpu.memory_space<vmem>> -> memref<1x128xi32, #tpu.memory_space<vmem>>
    %dma_start3A_8 = tpu.memref_squeeze %dma_start3A_7 : memref<1x128xi32, #tpu.memory_space<vmem>> -> memref<128xi32, #tpu.memory_space<vmem>>
    %dma_start3A_9 = arith.constant 0 : i32
    %dma_start3A_10 = arith.constant 0 : i32
    %dma_start3A_11 = tpu.memref_slice %arg3[%dma_start3A_9, %dma_start3A_10] : memref<100000x128xf32, #tpu.memory_space<hbm>> -> memref<100000x128xf32, #tpu.memory_space<hbm>>
    tpu.enqueue_indirect_dma source(%dma_start3A_11 : memref<100000x128xf32, #tpu.memory_space<hbm>>) target(%dma_start3A_5 : memref<128x128xf32, #tpu.memory_space<vmem>>) offsets(%dma_start3A_8 : memref<128xi32, #tpu.memory_space<vmem>>) semaphore(%arg13 : memref<!tpu.dma_semaphore, #tpu.memory_space<semaphore_mem>>)
    %dma_start3A_12 = arith.constant 1 : i32
    %dma_start3A_13 = arith.constant 0 : i32
    %dma_start3A_14 = arith.constant 0 : i32
    %dma_start3A_15 = tpu.memref_slice %arg7[%dma_start3A_13, %dma_start3A_14] : memref<128x128xf32, #tpu.memory_space<vmem>> -> memref<128x128xf32, #tpu.memory_space<vmem>>
    %dma_start3A_16 = arith.constant 0 : i32
    %dma_start3A_17 = tpu.memref_slice %arg5[%dma_start3A_12, %dma_start3A_16] : memref<50x128xi32, #tpu.memory_space<vmem>> -> memref<1x128xi32, #tpu.memory_space<vmem>>
    %dma_start3A_18 = tpu.memref_squeeze %dma_start3A_17 : memref<1x128xi32, #tpu.memory_space<vmem>> -> memref<128xi32, #tpu.memory_space<vmem>>
    %dma_start3A_19 = arith.constant 0 : i32
    %dma_start3A_20 = arith.constant 0 : i32
    %dma_start3A_21 = tpu.memref_slice %arg3[%dma_start3A_19, %dma_start3A_20] : memref<100000x128xf32, #tpu.memory_space<hbm>> -> memref<100000x128xf32, #tpu.memory_space<hbm>>
    tpu.enqueue_indirect_dma source(%dma_start3A_21 : memref<100000x128xf32, #tpu.memory_space<hbm>>) target(%dma_start3A_15 : memref<128x128xf32, #tpu.memory_space<vmem>>) offsets(%dma_start3A_18 : memref<128xi32, #tpu.memory_space<vmem>>) semaphore(%arg14 : memref<!tpu.dma_semaphore, #tpu.memory_space<semaphore_mem>>)
    %dma_start3A_22 = arith.constant 2 : i32
    %dma_start3A_23 = arith.constant 0 : i32
    %dma_start3A_24 = arith.constant 0 : i32
    %dma_start3A_25 = tpu.memref_slice %arg8[%dma_start3A_23, %dma_start3A_24] : memref<128x128xf32, #tpu.memory_space<vmem>> -> memref<128x128xf32, #tpu.memory_space<vmem>>
    %dma_start3A_26 = arith.constant 0 : i32
    %dma_start3A_27 = tpu.memref_slice %arg5[%dma_start3A_22, %dma_start3A_26] : memref<50x128xi32, #tpu.memory_space<vmem>> -> memref<1x128xi32, #tpu.memory_space<vmem>>
    %dma_start3A_28 = tpu.memref_squeeze %dma_start3A_27 : memref<1x128xi32, #tpu.memory_space<vmem>> -> memref<128xi32, #tpu.memory_space<vmem>>
    %dma_start3A_29 = arith.constant 0 : i32
    %dma_start3A_30 = arith.constant 0 : i32
    %dma_start3A_31 = tpu.memref_slice %arg3[%dma_start3A_29, %dma_start3A_30] : memref<100000x128xf32, #tpu.memory_space<hbm>> -> memref<100000x128xf32, #tpu.memory_space<hbm>>
    tpu.enqueue_indirect_dma source(%dma_start3A_31 : memref<100000x128xf32, #tpu.memory_space<hbm>>) target(%dma_start3A_25 : memref<128x128xf32, #tpu.memory_space<vmem>>) offsets(%dma_start3A_28 : memref<128xi32, #tpu.memory_space<vmem>>) semaphore(%arg15 : memref<!tpu.dma_semaphore, #tpu.memory_space<semaphore_mem>>)
    %dma_start3A_32 = arith.constant 3 : i32
    %dma_start3A_33 = arith.constant 0 : i32
    %dma_start3A_34 = arith.constant 0 : i32
    %dma_start3A_35 = tpu.memref_slice %arg9[%dma_start3A_33, %dma_start3A_34] : memref<128x128xf32, #tpu.memory_space<vmem>> -> memref<128x128xf32, #tpu.memory_space<vmem>>
    %dma_start3A_36 = arith.constant 0 : i32
    %dma_start3A_37 = tpu.memref_slice %arg5[%dma_start3A_32, %dma_start3A_36] : memref<50x128xi32, #tpu.memory_space<vmem>> -> memref<1x128xi32, #tpu.memory_space<vmem>>
    %dma_start3A_38 = tpu.memref_squeeze %dma_start3A_37 : memref<1x128xi32, #tpu.memory_space<vmem>> -> memref<128xi32, #tpu.memory_space<vmem>>
    %dma_start3A_39 = arith.constant 0 : i32
    %dma_start3A_40 = arith.constant 0 : i32
    %dma_start3A_41 = tpu.memref_slice %arg3[%dma_start3A_39, %dma_start3A_40] : memref<100000x128xf32, #tpu.memory_space<hbm>> -> memref<100000x128xf32, #tpu.memory_space<hbm>>
    tpu.enqueue_indirect_dma source(%dma_start3A_41 : memref<100000x128xf32, #tpu.memory_space<hbm>>) target(%dma_start3A_35 : memref<128x128xf32, #tpu.memory_space<vmem>>) offsets(%dma_start3A_38 : memref<128xi32, #tpu.memory_space<vmem>>) semaphore(%arg16 : memref<!tpu.dma_semaphore, #tpu.memory_space<semaphore_mem>>)
    %dma_start3A_42 = arith.constant 4 : i32
    %dma_start3A_43 = arith.constant 0 : i32
    %dma_start3A_44 = arith.constant 0 : i32
    %dma_start3A_45 = tpu.memref_slice %arg10[%dma_start3A_43, %dma_start3A_44] : memref<128x128xf32, #tpu.memory_space<vmem>> -> memref<128x128xf32, #tpu.memory_space<vmem>>
    %dma_start3A_46 = arith.constant 0 : i32
    %dma_start3A_47 = tpu.memref_slice %arg5[%dma_start3A_42, %dma_start3A_46] : memref<50x128xi32, #tpu.memory_space<vmem>> -> memref<1x128xi32, #tpu.memory_space<vmem>>
    %dma_start3A_48 = tpu.memref_squeeze %dma_start3A_47 : memref<1x128xi32, #tpu.memory_space<vmem>> -> memref<128xi32, #tpu.memory_space<vmem>>
    %dma_start3A_49 = arith.constant 0 : i32
    %dma_start3A_50 = arith.constant 0 : i32
    %dma_start3A_51 = tpu.memref_slice %arg3[%dma_start3A_49, %dma_start3A_50] : memref<100000x128xf32, #tpu.memory_space<hbm>> -> memref<100000x128xf32, #tpu.memory_space<hbm>>
    tpu.enqueue_indirect_dma source(%dma_start3A_51 : memref<100000x128xf32, #tpu.memory_space<hbm>>) target(%dma_start3A_45 : memref<128x128xf32, #tpu.memory_space<vmem>>) offsets(%dma_start3A_48 : memref<128xi32, #tpu.memory_space<vmem>>) semaphore(%arg17 : memref<!tpu.dma_semaphore, #tpu.memory_space<semaphore_mem>>)
    %dma_start3A_52 = arith.constant 5 : i32
    %dma_start3A_53 = arith.constant 0 : i32
    %dma_start3A_54 = arith.constant 0 : i32
    %dma_start3A_55 = tpu.memref_slice %arg11[%dma_start3A_53, %dma_start3A_54] : memref<128x128xf32, #tpu.memory_space<vmem>> -> memref<128x128xf32, #tpu.memory_space<vmem>>
    %dma_start3A_56 = arith.constant 0 : i32
    %dma_start3A_57 = tpu.memref_slice %arg5[%dma_start3A_52, %dma_start3A_56] : memref<50x128xi32, #tpu.memory_space<vmem>> -> memref<1x128xi32, #tpu.memory_space<vmem>>
    %dma_start3A_58 = tpu.memref_squeeze %dma_start3A_57 : memref<1x128xi32, #tpu.memory_space<vmem>> -> memref<128xi32, #tpu.memory_space<vmem>>
    %dma_start3A_59 = arith.constant 0 : i32
    %dma_start3A_60 = arith.constant 0 : i32
    %dma_start3A_61 = tpu.memref_slice %arg3[%dma_start3A_59, %dma_start3A_60] : memref<100000x128xf32, #tpu.memory_space<hbm>> -> memref<100000x128xf32, #tpu.memory_space<hbm>>
    tpu.enqueue_indirect_dma source(%dma_start3A_61 : memref<100000x128xf32, #tpu.memory_space<hbm>>) target(%dma_start3A_55 : memref<128x128xf32, #tpu.memory_space<vmem>>) offsets(%dma_start3A_58 : memref<128xi32, #tpu.memory_space<vmem>>) semaphore(%arg18 : memref<!tpu.dma_semaphore, #tpu.memory_space<semaphore_mem>>)
    %dma_start3A_62 = arith.constant 6 : i32
    %dma_start3A_63 = arith.constant 0 : i32
    %dma_start3A_64 = arith.constant 0 : i32
    %dma_start3A_65 = tpu.memref_slice %arg12[%dma_start3A_63, %dma_start3A_64] : memref<128x128xf32, #tpu.memory_space<vmem>> -> memref<128x128xf32, #tpu.memory_space<vmem>>
    %dma_start3A_66 = arith.constant 0 : i32
    %dma_start3A_67 = tpu.memref_slice %arg5[%dma_start3A_62, %dma_start3A_66] : memref<50x128xi32, #tpu.memory_space<vmem>> -> memref<1x128xi32, #tpu.memory_space<vmem>>
    %dma_start3A_68 = tpu.memref_squeeze %dma_start3A_67 : memref<1x128xi32, #tpu.memory_space<vmem>> -> memref<128xi32, #tpu.memory_space<vmem>>
    %dma_start3A_69 = arith.constant 0 : i32
    %dma_start3A_70 = arith.constant 0 : i32
    %dma_start3A_71 = tpu.memref_slice %arg3[%dma_start3A_69, %dma_start3A_70] : memref<100000x128xf32, #tpu.memory_space<hbm>> -> memref<100000x128xf32, #tpu.memory_space<hbm>>
    tpu.enqueue_indirect_dma source(%dma_start3A_71 : memref<100000x128xf32, #tpu.memory_space<hbm>>) target(%dma_start3A_65 : memref<128x128xf32, #tpu.memory_space<vmem>>) offsets(%dma_start3A_68 : memref<128xi32, #tpu.memory_space<vmem>>) semaphore(%arg19 : memref<!tpu.dma_semaphore, #tpu.memory_space<semaphore_mem>>)
    %scan3A = arith.constant 0 : i32
    %scan3A_72 = arith.constant 0 : i32
    %scan3A_73 = arith.constant 8 : i32
    %scan3A_74 = arith.addi %scan3A_72, %scan3A_73 : i32
    %scan3A_75 = arith.constant 1 : i32
    scf.for %scan3A_104 = %scan3A_72 to %scan3A_74 step %scan3A_75  : i32 {
      %mul3A_105 = arith.constant 7 : i32
      %mul3A_106 = arith.muli %scan3A_104, %mul3A_105 : i32
      %add3A_107 = arith.constant 0 : i32
      %add3A_108 = arith.addi %mul3A_106, %add3A_107 : i32
      %lt3A = arith.constant 50 : i32
      %lt3A_109 = arith.cmpi slt, %add3A_108, %lt3A : i32
      %convert_element_type3A = arith.extui %lt3A_109 : i1 to i32
      %cond3A = arith.constant 0 : i32
      %cond3A_110 = arith.cmpi ne, %convert_element_type3A, %cond3A : i32
      scf.if %cond3A_110 {
        %dma_wait3A_242 = arith.constant 0 : i32
        %dma_wait3A_243 = arith.constant 0 : i32
        %dma_wait3A_244 = arith.constant 0 : i32
        %dma_wait3A_245 = tpu.memref_slice %arg6[%dma_wait3A_243, %dma_wait3A_244] : memref<128x128xf32, #tpu.memory_space<vmem>> -> memref<128x128xf32, #tpu.memory_space<vmem>>
        %dma_wait3A_246 = arith.constant 0 : i32
        %dma_wait3A_247 = tpu.memref_slice %arg5[%dma_wait3A_242, %dma_wait3A_246] : memref<50x128xi32, #tpu.memory_space<vmem>> -> memref<1x128xi32, #tpu.memory_space<vmem>>
        %dma_wait3A_248 = tpu.memref_squeeze %dma_wait3A_247 : memref<1x128xi32, #tpu.memory_space<vmem>> -> memref<128xi32, #tpu.memory_space<vmem>>
        %dma_wait3A_249 = arith.constant 0 : i32
        %dma_wait3A_250 = arith.constant 0 : i32
        %dma_wait3A_251 = tpu.memref_slice %arg3[%dma_wait3A_249, %dma_wait3A_250] : memref<100000x128xf32, #tpu.memory_space<hbm>> -> memref<100000x128xf32, #tpu.memory_space<hbm>>
        tpu.wait_indirect_dma semaphore(%arg13 : memref<!tpu.dma_semaphore, #tpu.memory_space<semaphore_mem>>) src(%dma_wait3A_251 : memref<100000x128xf32, #tpu.memory_space<hbm>>) dst(%dma_wait3A_245 : memref<128x128xf32, #tpu.memory_space<vmem>>)
        %mul3A_252 = arith.constant 128 : i32
        %mul3A_253 = arith.muli %add3A_108, %mul3A_252 : i32
        %add3A_254 = arith.addi %mul3A_2, %mul3A_253 : i32
        %dma_start3A_255 = arith.constant 0 : i32
        %dma_start3A_256 = tpu.memref_slice %arg4[%add3A_254, %dma_start3A_255] : memref<204800x128xf32, #tpu.memory_space<hbm>> -> memref<128x128xf32, #tpu.memory_space<hbm>>
        %dma_start3A_257 = arith.constant 0 : i32
        %dma_start3A_258 = tpu.memref_slice %arg4[%add3A_254, %dma_start3A_257] : memref<204800x128xf32, #tpu.memory_space<hbm>> -> memref<128x128xf32, #tpu.memory_space<hbm>>
        tpu.enqueue_dma source(%arg6 : memref<128x128xf32, #tpu.memory_space<vmem>>) target(%dma_start3A_258 : memref<128x128xf32, #tpu.memory_space<hbm>>) target_semaphore(%arg20 : memref<!tpu.dma_semaphore, #tpu.memory_space<semaphore_mem>>)
      } else {
      }
      %mul3A_111 = arith.constant 7 : i32
      %mul3A_112 = arith.muli %scan3A_104, %mul3A_111 : i32
      %add3A_113 = arith.constant 1 : i32
      %add3A_114 = arith.addi %mul3A_112, %add3A_113 : i32
      %lt3A_115 = arith.constant 50 : i32
      %lt3A_116 = arith.cmpi slt, %add3A_114, %lt3A_115 : i32
      %convert_element_type3A_117 = arith.extui %lt3A_116 : i1 to i32
      %cond3A_118 = arith.constant 0 : i32
      %cond3A_119 = arith.cmpi ne, %convert_element_type3A_117, %cond3A_118 : i32
      scf.if %cond3A_119 {
        %dma_wait3A_242 = arith.constant 0 : i32
        %dma_wait3A_243 = arith.constant 0 : i32
        %dma_wait3A_244 = arith.constant 0 : i32
        %dma_wait3A_245 = tpu.memref_slice %arg7[%dma_wait3A_243, %dma_wait3A_244] : memref<128x128xf32, #tpu.memory_space<vmem>> -> memref<128x128xf32, #tpu.memory_space<vmem>>
        %dma_wait3A_246 = arith.constant 0 : i32
        %dma_wait3A_247 = tpu.memref_slice %arg5[%dma_wait3A_242, %dma_wait3A_246] : memref<50x128xi32, #tpu.memory_space<vmem>> -> memref<1x128xi32, #tpu.memory_space<vmem>>
        %dma_wait3A_248 = tpu.memref_squeeze %dma_wait3A_247 : memref<1x128xi32, #tpu.memory_space<vmem>> -> memref<128xi32, #tpu.memory_space<vmem>>
        %dma_wait3A_249 = arith.constant 0 : i32
        %dma_wait3A_250 = arith.constant 0 : i32
        %dma_wait3A_251 = tpu.memref_slice %arg3[%dma_wait3A_249, %dma_wait3A_250] : memref<100000x128xf32, #tpu.memory_space<hbm>> -> memref<100000x128xf32, #tpu.memory_space<hbm>>
        tpu.wait_indirect_dma semaphore(%arg14 : memref<!tpu.dma_semaphore, #tpu.memory_space<semaphore_mem>>) src(%dma_wait3A_251 : memref<100000x128xf32, #tpu.memory_space<hbm>>) dst(%dma_wait3A_245 : memref<128x128xf32, #tpu.memory_space<vmem>>)
        %mul3A_252 = arith.constant 128 : i32
        %mul3A_253 = arith.muli %add3A_114, %mul3A_252 : i32
        %add3A_254 = arith.addi %mul3A_2, %mul3A_253 : i32
        %dma_start3A_255 = arith.constant 0 : i32
        %dma_start3A_256 = tpu.memref_slice %arg4[%add3A_254, %dma_start3A_255] : memref<204800x128xf32, #tpu.memory_space<hbm>> -> memref<128x128xf32, #tpu.memory_space<hbm>>
        %dma_start3A_257 = arith.constant 0 : i32
        %dma_start3A_258 = tpu.memref_slice %arg4[%add3A_254, %dma_start3A_257] : memref<204800x128xf32, #tpu.memory_space<hbm>> -> memref<128x128xf32, #tpu.memory_space<hbm>>
        tpu.enqueue_dma source(%arg7 : memref<128x128xf32, #tpu.memory_space<vmem>>) target(%dma_start3A_258 : memref<128x128xf32, #tpu.memory_space<hbm>>) target_semaphore(%arg21 : memref<!tpu.dma_semaphore, #tpu.memory_space<semaphore_mem>>)
      } else {
      }
      %mul3A_120 = arith.constant 7 : i32
      %mul3A_121 = arith.muli %scan3A_104, %mul3A_120 : i32
      %add3A_122 = arith.constant 2 : i32
      %add3A_123 = arith.addi %mul3A_121, %add3A_122 : i32
      %lt3A_124 = arith.constant 50 : i32
      %lt3A_125 = arith.cmpi slt, %add3A_123, %lt3A_124 : i32
      %convert_element_type3A_126 = arith.extui %lt3A_125 : i1 to i32
      %cond3A_127 = arith.constant 0 : i32
      %cond3A_128 = arith.cmpi ne, %convert_element_type3A_126, %cond3A_127 : i32
      scf.if %cond3A_128 {
        %dma_wait3A_242 = arith.constant 0 : i32
        %dma_wait3A_243 = arith.constant 0 : i32
        %dma_wait3A_244 = arith.constant 0 : i32
        %dma_wait3A_245 = tpu.memref_slice %arg8[%dma_wait3A_243, %dma_wait3A_244] : memref<128x128xf32, #tpu.memory_space<vmem>> -> memref<128x128xf32, #tpu.memory_space<vmem>>
        %dma_wait3A_246 = arith.constant 0 : i32
        %dma_wait3A_247 = tpu.memref_slice %arg5[%dma_wait3A_242, %dma_wait3A_246] : memref<50x128xi32, #tpu.memory_space<vmem>> -> memref<1x128xi32, #tpu.memory_space<vmem>>
        %dma_wait3A_248 = tpu.memref_squeeze %dma_wait3A_247 : memref<1x128xi32, #tpu.memory_space<vmem>> -> memref<128xi32, #tpu.memory_space<vmem>>
        %dma_wait3A_249 = arith.constant 0 : i32
        %dma_wait3A_250 = arith.constant 0 : i32
        %dma_wait3A_251 = tpu.memref_slice %arg3[%dma_wait3A_249, %dma_wait3A_250] : memref<100000x128xf32, #tpu.memory_space<hbm>> -> memref<100000x128xf32, #tpu.memory_space<hbm>>
        tpu.wait_indirect_dma semaphore(%arg15 : memref<!tpu.dma_semaphore, #tpu.memory_space<semaphore_mem>>) src(%dma_wait3A_251 : memref<100000x128xf32, #tpu.memory_space<hbm>>) dst(%dma_wait3A_245 : memref<128x128xf32, #tpu.memory_space<vmem>>)
        %mul3A_252 = arith.constant 128 : i32
        %mul3A_253 = arith.muli %add3A_123, %mul3A_252 : i32
        %add3A_254 = arith.addi %mul3A_2, %mul3A_253 : i32
        %dma_start3A_255 = arith.constant 0 : i32
        %dma_start3A_256 = tpu.memref_slice %arg4[%add3A_254, %dma_start3A_255] : memref<204800x128xf32, #tpu.memory_space<hbm>> -> memref<128x128xf32, #tpu.memory_space<hbm>>
        %dma_start3A_257 = arith.constant 0 : i32
        %dma_start3A_258 = tpu.memref_slice %arg4[%add3A_254, %dma_start3A_257] : memref<204800x128xf32, #tpu.memory_space<hbm>> -> memref<128x128xf32, #tpu.memory_space<hbm>>
        tpu.enqueue_dma source(%arg8 : memref<128x128xf32, #tpu.memory_space<vmem>>) target(%dma_start3A_258 : memref<128x128xf32, #tpu.memory_space<hbm>>) target_semaphore(%arg22 : memref<!tpu.dma_semaphore, #tpu.memory_space<semaphore_mem>>)
      } else {
      }
      %mul3A_129 = arith.constant 7 : i32
      %mul3A_130 = arith.muli %scan3A_104, %mul3A_129 : i32
      %add3A_131 = arith.constant 3 : i32
      %add3A_132 = arith.addi %mul3A_130, %add3A_131 : i32
      %lt3A_133 = arith.constant 50 : i32
      %lt3A_134 = arith.cmpi slt, %add3A_132, %lt3A_133 : i32
      %convert_element_type3A_135 = arith.extui %lt3A_134 : i1 to i32
      %cond3A_136 = arith.constant 0 : i32
      %cond3A_137 = arith.cmpi ne, %convert_element_type3A_135, %cond3A_136 : i32
      scf.if %cond3A_137 {
        %dma_wait3A_242 = arith.constant 0 : i32
        %dma_wait3A_243 = arith.constant 0 : i32
        %dma_wait3A_244 = arith.constant 0 : i32
        %dma_wait3A_245 = tpu.memref_slice %arg9[%dma_wait3A_243, %dma_wait3A_244] : memref<128x128xf32, #tpu.memory_space<vmem>> -> memref<128x128xf32, #tpu.memory_space<vmem>>
        %dma_wait3A_246 = arith.constant 0 : i32
        %dma_wait3A_247 = tpu.memref_slice %arg5[%dma_wait3A_242, %dma_wait3A_246] : memref<50x128xi32, #tpu.memory_space<vmem>> -> memref<1x128xi32, #tpu.memory_space<vmem>>
        %dma_wait3A_248 = tpu.memref_squeeze %dma_wait3A_247 : memref<1x128xi32, #tpu.memory_space<vmem>> -> memref<128xi32, #tpu.memory_space<vmem>>
        %dma_wait3A_249 = arith.constant 0 : i32
        %dma_wait3A_250 = arith.constant 0 : i32
        %dma_wait3A_251 = tpu.memref_slice %arg3[%dma_wait3A_249, %dma_wait3A_250] : memref<100000x128xf32, #tpu.memory_space<hbm>> -> memref<100000x128xf32, #tpu.memory_space<hbm>>
        tpu.wait_indirect_dma semaphore(%arg16 : memref<!tpu.dma_semaphore, #tpu.memory_space<semaphore_mem>>) src(%dma_wait3A_251 : memref<100000x128xf32, #tpu.memory_space<hbm>>) dst(%dma_wait3A_245 : memref<128x128xf32, #tpu.memory_space<vmem>>)
        %mul3A_252 = arith.constant 128 : i32
        %mul3A_253 = arith.muli %add3A_132, %mul3A_252 : i32
        %add3A_254 = arith.addi %mul3A_2, %mul3A_253 : i32
        %dma_start3A_255 = arith.constant 0 : i32
        %dma_start3A_256 = tpu.memref_slice %arg4[%add3A_254, %dma_start3A_255] : memref<204800x128xf32, #tpu.memory_space<hbm>> -> memref<128x128xf32, #tpu.memory_space<hbm>>
        %dma_start3A_257 = arith.constant 0 : i32
        %dma_start3A_258 = tpu.memref_slice %arg4[%add3A_254, %dma_start3A_257] : memref<204800x128xf32, #tpu.memory_space<hbm>> -> memref<128x128xf32, #tpu.memory_space<hbm>>
        tpu.enqueue_dma source(%arg9 : memref<128x128xf32, #tpu.memory_space<vmem>>) target(%dma_start3A_258 : memref<128x128xf32, #tpu.memory_space<hbm>>) target_semaphore(%arg23 : memref<!tpu.dma_semaphore, #tpu.memory_space<semaphore_mem>>)
      } else {
      }
      %mul3A_138 = arith.constant 7 : i32
      %mul3A_139 = arith.muli %scan3A_104, %mul3A_138 : i32
      %add3A_140 = arith.constant 4 : i32
      %add3A_141 = arith.addi %mul3A_139, %add3A_140 : i32
      %lt3A_142 = arith.constant 50 : i32
      %lt3A_143 = arith.cmpi slt, %add3A_141, %lt3A_142 : i32
      %convert_element_type3A_144 = arith.extui %lt3A_143 : i1 to i32
      %cond3A_145 = arith.constant 0 : i32
      %cond3A_146 = arith.cmpi ne, %convert_element_type3A_144, %cond3A_145 : i32
      scf.if %cond3A_146 {
        %dma_wait3A_242 = arith.constant 0 : i32
        %dma_wait3A_243 = arith.constant 0 : i32
        %dma_wait3A_244 = arith.constant 0 : i32
        %dma_wait3A_245 = tpu.memref_slice %arg10[%dma_wait3A_243, %dma_wait3A_244] : memref<128x128xf32, #tpu.memory_space<vmem>> -> memref<128x128xf32, #tpu.memory_space<vmem>>
        %dma_wait3A_246 = arith.constant 0 : i32
        %dma_wait3A_247 = tpu.memref_slice %arg5[%dma_wait3A_242, %dma_wait3A_246] : memref<50x128xi32, #tpu.memory_space<vmem>> -> memref<1x128xi32, #tpu.memory_space<vmem>>
        %dma_wait3A_248 = tpu.memref_squeeze %dma_wait3A_247 : memref<1x128xi32, #tpu.memory_space<vmem>> -> memref<128xi32, #tpu.memory_space<vmem>>
        %dma_wait3A_249 = arith.constant 0 : i32
        %dma_wait3A_250 = arith.constant 0 : i32
        %dma_wait3A_251 = tpu.memref_slice %arg3[%dma_wait3A_249, %dma_wait3A_250] : memref<100000x128xf32, #tpu.memory_space<hbm>> -> memref<100000x128xf32, #tpu.memory_space<hbm>>
        tpu.wait_indirect_dma semaphore(%arg17 : memref<!tpu.dma_semaphore, #tpu.memory_space<semaphore_mem>>) src(%dma_wait3A_251 : memref<100000x128xf32, #tpu.memory_space<hbm>>) dst(%dma_wait3A_245 : memref<128x128xf32, #tpu.memory_space<vmem>>)
        %mul3A_252 = arith.constant 128 : i32
        %mul3A_253 = arith.muli %add3A_141, %mul3A_252 : i32
        %add3A_254 = arith.addi %mul3A_2, %mul3A_253 : i32
        %dma_start3A_255 = arith.constant 0 : i32
        %dma_start3A_256 = tpu.memref_slice %arg4[%add3A_254, %dma_start3A_255] : memref<204800x128xf32, #tpu.memory_space<hbm>> -> memref<128x128xf32, #tpu.memory_space<hbm>>
        %dma_start3A_257 = arith.constant 0 : i32
        %dma_start3A_258 = tpu.memref_slice %arg4[%add3A_254, %dma_start3A_257] : memref<204800x128xf32, #tpu.memory_space<hbm>> -> memref<128x128xf32, #tpu.memory_space<hbm>>
        tpu.enqueue_dma source(%arg10 : memref<128x128xf32, #tpu.memory_space<vmem>>) target(%dma_start3A_258 : memref<128x128xf32, #tpu.memory_space<hbm>>) target_semaphore(%arg24 : memref<!tpu.dma_semaphore, #tpu.memory_space<semaphore_mem>>)
      } else {
      }
      %mul3A_147 = arith.constant 7 : i32
      %mul3A_148 = arith.muli %scan3A_104, %mul3A_147 : i32
      %add3A_149 = arith.constant 5 : i32
      %add3A_150 = arith.addi %mul3A_148, %add3A_149 : i32
      %lt3A_151 = arith.constant 50 : i32
      %lt3A_152 = arith.cmpi slt, %add3A_150, %lt3A_151 : i32
      %convert_element_type3A_153 = arith.extui %lt3A_152 : i1 to i32
      %cond3A_154 = arith.constant 0 : i32
      %cond3A_155 = arith.cmpi ne, %convert_element_type3A_153, %cond3A_154 : i32
      scf.if %cond3A_155 {
        %dma_wait3A_242 = arith.constant 0 : i32
        %dma_wait3A_243 = arith.constant 0 : i32
        %dma_wait3A_244 = arith.constant 0 : i32
        %dma_wait3A_245 = tpu.memref_slice %arg11[%dma_wait3A_243, %dma_wait3A_244] : memref<128x128xf32, #tpu.memory_space<vmem>> -> memref<128x128xf32, #tpu.memory_space<vmem>>
        %dma_wait3A_246 = arith.constant 0 : i32
        %dma_wait3A_247 = tpu.memref_slice %arg5[%dma_wait3A_242, %dma_wait3A_246] : memref<50x128xi32, #tpu.memory_space<vmem>> -> memref<1x128xi32, #tpu.memory_space<vmem>>
        %dma_wait3A_248 = tpu.memref_squeeze %dma_wait3A_247 : memref<1x128xi32, #tpu.memory_space<vmem>> -> memref<128xi32, #tpu.memory_space<vmem>>
        %dma_wait3A_249 = arith.constant 0 : i32
        %dma_wait3A_250 = arith.constant 0 : i32
        %dma_wait3A_251 = tpu.memref_slice %arg3[%dma_wait3A_249, %dma_wait3A_250] : memref<100000x128xf32, #tpu.memory_space<hbm>> -> memref<100000x128xf32, #tpu.memory_space<hbm>>
        tpu.wait_indirect_dma semaphore(%arg18 : memref<!tpu.dma_semaphore, #tpu.memory_space<semaphore_mem>>) src(%dma_wait3A_251 : memref<100000x128xf32, #tpu.memory_space<hbm>>) dst(%dma_wait3A_245 : memref<128x128xf32, #tpu.memory_space<vmem>>)
        %mul3A_252 = arith.constant 128 : i32
        %mul3A_253 = arith.muli %add3A_150, %mul3A_252 : i32
        %add3A_254 = arith.addi %mul3A_2, %mul3A_253 : i32
        %dma_start3A_255 = arith.constant 0 : i32
        %dma_start3A_256 = tpu.memref_slice %arg4[%add3A_254, %dma_start3A_255] : memref<204800x128xf32, #tpu.memory_space<hbm>> -> memref<128x128xf32, #tpu.memory_space<hbm>>
        %dma_start3A_257 = arith.constant 0 : i32
        %dma_start3A_258 = tpu.memref_slice %arg4[%add3A_254, %dma_start3A_257] : memref<204800x128xf32, #tpu.memory_space<hbm>> -> memref<128x128xf32, #tpu.memory_space<hbm>>
        tpu.enqueue_dma source(%arg11 : memref<128x128xf32, #tpu.memory_space<vmem>>) target(%dma_start3A_258 : memref<128x128xf32, #tpu.memory_space<hbm>>) target_semaphore(%arg25 : memref<!tpu.dma_semaphore, #tpu.memory_space<semaphore_mem>>)
      } else {
      }
      %mul3A_156 = arith.constant 7 : i32
      %mul3A_157 = arith.muli %scan3A_104, %mul3A_156 : i32
      %add3A_158 = arith.constant 6 : i32
      %add3A_159 = arith.addi %mul3A_157, %add3A_158 : i32
      %lt3A_160 = arith.constant 50 : i32
      %lt3A_161 = arith.cmpi slt, %add3A_159, %lt3A_160 : i32
      %convert_element_type3A_162 = arith.extui %lt3A_161 : i1 to i32
      %cond3A_163 = arith.constant 0 : i32
      %cond3A_164 = arith.cmpi ne, %convert_element_type3A_162, %cond3A_163 : i32
      scf.if %cond3A_164 {
        %dma_wait3A_242 = arith.constant 0 : i32
        %dma_wait3A_243 = arith.constant 0 : i32
        %dma_wait3A_244 = arith.constant 0 : i32
        %dma_wait3A_245 = tpu.memref_slice %arg12[%dma_wait3A_243, %dma_wait3A_244] : memref<128x128xf32, #tpu.memory_space<vmem>> -> memref<128x128xf32, #tpu.memory_space<vmem>>
        %dma_wait3A_246 = arith.constant 0 : i32
        %dma_wait3A_247 = tpu.memref_slice %arg5[%dma_wait3A_242, %dma_wait3A_246] : memref<50x128xi32, #tpu.memory_space<vmem>> -> memref<1x128xi32, #tpu.memory_space<vmem>>
        %dma_wait3A_248 = tpu.memref_squeeze %dma_wait3A_247 : memref<1x128xi32, #tpu.memory_space<vmem>> -> memref<128xi32, #tpu.memory_space<vmem>>
        %dma_wait3A_249 = arith.constant 0 : i32
        %dma_wait3A_250 = arith.constant 0 : i32
        %dma_wait3A_251 = tpu.memref_slice %arg3[%dma_wait3A_249, %dma_wait3A_250] : memref<100000x128xf32, #tpu.memory_space<hbm>> -> memref<100000x128xf32, #tpu.memory_space<hbm>>
        tpu.wait_indirect_dma semaphore(%arg19 : memref<!tpu.dma_semaphore, #tpu.memory_space<semaphore_mem>>) src(%dma_wait3A_251 : memref<100000x128xf32, #tpu.memory_space<hbm>>) dst(%dma_wait3A_245 : memref<128x128xf32, #tpu.memory_space<vmem>>)
        %mul3A_252 = arith.constant 128 : i32
        %mul3A_253 = arith.muli %add3A_159, %mul3A_252 : i32
        %add3A_254 = arith.addi %mul3A_2, %mul3A_253 : i32
        %dma_start3A_255 = arith.constant 0 : i32
        %dma_start3A_256 = tpu.memref_slice %arg4[%add3A_254, %dma_start3A_255] : memref<204800x128xf32, #tpu.memory_space<hbm>> -> memref<128x128xf32, #tpu.memory_space<hbm>>
        %dma_start3A_257 = arith.constant 0 : i32
        %dma_start3A_258 = tpu.memref_slice %arg4[%add3A_254, %dma_start3A_257] : memref<204800x128xf32, #tpu.memory_space<hbm>> -> memref<128x128xf32, #tpu.memory_space<hbm>>
        tpu.enqueue_dma source(%arg12 : memref<128x128xf32, #tpu.memory_space<vmem>>) target(%dma_start3A_258 : memref<128x128xf32, #tpu.memory_space<hbm>>) target_semaphore(%arg26 : memref<!tpu.dma_semaphore, #tpu.memory_space<semaphore_mem>>)
      } else {
      }
      %add3A_165 = arith.constant 1 : i32
      %add3A_166 = arith.addi %scan3A_104, %add3A_165 : i32
      %mul3A_167 = arith.constant 7 : i32
      %mul3A_168 = arith.muli %add3A_166, %mul3A_167 : i32
      %add3A_169 = arith.constant 0 : i32
      %add3A_170 = arith.addi %mul3A_168, %add3A_169 : i32
      %lt3A_171 = arith.constant 50 : i32
      %lt3A_172 = arith.cmpi slt, %add3A_170, %lt3A_171 : i32
      %convert_element_type3A_173 = arith.extui %lt3A_172 : i1 to i32
      %cond3A_174 = arith.constant 0 : i32
      %cond3A_175 = arith.cmpi ne, %convert_element_type3A_173, %cond3A_174 : i32
      scf.if %cond3A_175 {
        %dma_wait3A_242 = arith.constant 0 : i32
        %dma_wait3A_243 = tpu.memref_slice %arg4[%mul3A_2, %dma_wait3A_242] : memref<204800x128xf32, #tpu.memory_space<hbm>> -> memref<128x128xf32, #tpu.memory_space<hbm>>
        %dma_wait3A_244 = arith.constant 0 : i32
        %dma_wait3A_245 = tpu.memref_slice %arg4[%mul3A_2, %dma_wait3A_244] : memref<204800x128xf32, #tpu.memory_space<hbm>> -> memref<128x128xf32, #tpu.memory_space<hbm>>
        tpu.wait_dma2 semaphore(%arg20 : memref<!tpu.dma_semaphore, #tpu.memory_space<semaphore_mem>>) src(%arg6 : memref<128x128xf32, #tpu.memory_space<vmem>>) dst(%dma_wait3A_245 : memref<128x128xf32, #tpu.memory_space<hbm>>)
        %mul3A_246 = arith.constant 1 : i32
        %mul3A_247 = arith.muli %add3A_170, %mul3A_246 : i32
        %add3A_248 = arith.constant 0 : i32
        %add3A_249 = arith.addi %mul3A_247, %add3A_248 : i32
        %dma_start3A_250 = arith.constant 0 : i32
        %dma_start3A_251 = arith.constant 0 : i32
        %dma_start3A_252 = tpu.memref_slice %arg6[%dma_start3A_250, %dma_start3A_251] : memref<128x128xf32, #tpu.memory_space<vmem>> -> memref<128x128xf32, #tpu.memory_space<vmem>>
        %dma_start3A_253 = arith.constant 0 : i32
        %dma_start3A_254 = tpu.memref_slice %arg5[%add3A_249, %dma_start3A_253] : memref<50x128xi32, #tpu.memory_space<vmem>> -> memref<1x128xi32, #tpu.memory_space<vmem>>
        %dma_start3A_255 = tpu.memref_squeeze %dma_start3A_254 : memref<1x128xi32, #tpu.memory_space<vmem>> -> memref<128xi32, #tpu.memory_space<vmem>>
        %dma_start3A_256 = arith.constant 0 : i32
        %dma_start3A_257 = arith.constant 0 : i32
        %dma_start3A_258 = tpu.memref_slice %arg3[%dma_start3A_256, %dma_start3A_257] : memref<100000x128xf32, #tpu.memory_space<hbm>> -> memref<100000x128xf32, #tpu.memory_space<hbm>>
        tpu.enqueue_indirect_dma source(%dma_start3A_258 : memref<100000x128xf32, #tpu.memory_space<hbm>>) target(%dma_start3A_252 : memref<128x128xf32, #tpu.memory_space<vmem>>) offsets(%dma_start3A_255 : memref<128xi32, #tpu.memory_space<vmem>>) semaphore(%arg13 : memref<!tpu.dma_semaphore, #tpu.memory_space<semaphore_mem>>)
      } else {
      }
      %add3A_176 = arith.constant 1 : i32
      %add3A_177 = arith.addi %scan3A_104, %add3A_176 : i32
      %mul3A_178 = arith.constant 7 : i32
      %mul3A_179 = arith.muli %add3A_177, %mul3A_178 : i32
      %add3A_180 = arith.constant 1 : i32
      %add3A_181 = arith.addi %mul3A_179, %add3A_180 : i32
      %lt3A_182 = arith.constant 50 : i32
      %lt3A_183 = arith.cmpi slt, %add3A_181, %lt3A_182 : i32
      %convert_element_type3A_184 = arith.extui %lt3A_183 : i1 to i32
      %cond3A_185 = arith.constant 0 : i32
      %cond3A_186 = arith.cmpi ne, %convert_element_type3A_184, %cond3A_185 : i32
      scf.if %cond3A_186 {
        %dma_wait3A_242 = arith.constant 0 : i32
        %dma_wait3A_243 = tpu.memref_slice %arg4[%mul3A_2, %dma_wait3A_242] : memref<204800x128xf32, #tpu.memory_space<hbm>> -> memref<128x128xf32, #tpu.memory_space<hbm>>
        %dma_wait3A_244 = arith.constant 0 : i32
        %dma_wait3A_245 = tpu.memref_slice %arg4[%mul3A_2, %dma_wait3A_244] : memref<204800x128xf32, #tpu.memory_space<hbm>> -> memref<128x128xf32, #tpu.memory_space<hbm>>
        tpu.wait_dma2 semaphore(%arg21 : memref<!tpu.dma_semaphore, #tpu.memory_space<semaphore_mem>>) src(%arg7 : memref<128x128xf32, #tpu.memory_space<vmem>>) dst(%dma_wait3A_245 : memref<128x128xf32, #tpu.memory_space<hbm>>)
        %mul3A_246 = arith.constant 1 : i32
        %mul3A_247 = arith.muli %add3A_181, %mul3A_246 : i32
        %add3A_248 = arith.constant 0 : i32
        %add3A_249 = arith.addi %mul3A_247, %add3A_248 : i32
        %dma_start3A_250 = arith.constant 0 : i32
        %dma_start3A_251 = arith.constant 0 : i32
        %dma_start3A_252 = tpu.memref_slice %arg7[%dma_start3A_250, %dma_start3A_251] : memref<128x128xf32, #tpu.memory_space<vmem>> -> memref<128x128xf32, #tpu.memory_space<vmem>>
        %dma_start3A_253 = arith.constant 0 : i32
        %dma_start3A_254 = tpu.memref_slice %arg5[%add3A_249, %dma_start3A_253] : memref<50x128xi32, #tpu.memory_space<vmem>> -> memref<1x128xi32, #tpu.memory_space<vmem>>
        %dma_start3A_255 = tpu.memref_squeeze %dma_start3A_254 : memref<1x128xi32, #tpu.memory_space<vmem>> -> memref<128xi32, #tpu.memory_space<vmem>>
        %dma_start3A_256 = arith.constant 0 : i32
        %dma_start3A_257 = arith.constant 0 : i32
        %dma_start3A_258 = tpu.memref_slice %arg3[%dma_start3A_256, %dma_start3A_257] : memref<100000x128xf32, #tpu.memory_space<hbm>> -> memref<100000x128xf32, #tpu.memory_space<hbm>>
        tpu.enqueue_indirect_dma source(%dma_start3A_258 : memref<100000x128xf32, #tpu.memory_space<hbm>>) target(%dma_start3A_252 : memref<128x128xf32, #tpu.memory_space<vmem>>) offsets(%dma_start3A_255 : memref<128xi32, #tpu.memory_space<vmem>>) semaphore(%arg14 : memref<!tpu.dma_semaphore, #tpu.memory_space<semaphore_mem>>)
      } else {
      }
      %add3A_187 = arith.constant 1 : i32
      %add3A_188 = arith.addi %scan3A_104, %add3A_187 : i32
      %mul3A_189 = arith.constant 7 : i32
      %mul3A_190 = arith.muli %add3A_188, %mul3A_189 : i32
      %add3A_191 = arith.constant 2 : i32
      %add3A_192 = arith.addi %mul3A_190, %add3A_191 : i32
      %lt3A_193 = arith.constant 50 : i32
      %lt3A_194 = arith.cmpi slt, %add3A_192, %lt3A_193 : i32
      %convert_element_type3A_195 = arith.extui %lt3A_194 : i1 to i32
      %cond3A_196 = arith.constant 0 : i32
      %cond3A_197 = arith.cmpi ne, %convert_element_type3A_195, %cond3A_196 : i32
      scf.if %cond3A_197 {
        %dma_wait3A_242 = arith.constant 0 : i32
        %dma_wait3A_243 = tpu.memref_slice %arg4[%mul3A_2, %dma_wait3A_242] : memref<204800x128xf32, #tpu.memory_space<hbm>> -> memref<128x128xf32, #tpu.memory_space<hbm>>
        %dma_wait3A_244 = arith.constant 0 : i32
        %dma_wait3A_245 = tpu.memref_slice %arg4[%mul3A_2, %dma_wait3A_244] : memref<204800x128xf32, #tpu.memory_space<hbm>> -> memref<128x128xf32, #tpu.memory_space<hbm>>
        tpu.wait_dma2 semaphore(%arg22 : memref<!tpu.dma_semaphore, #tpu.memory_space<semaphore_mem>>) src(%arg8 : memref<128x128xf32, #tpu.memory_space<vmem>>) dst(%dma_wait3A_245 : memref<128x128xf32, #tpu.memory_space<hbm>>)
        %mul3A_246 = arith.constant 1 : i32
        %mul3A_247 = arith.muli %add3A_192, %mul3A_246 : i32
        %add3A_248 = arith.constant 0 : i32
        %add3A_249 = arith.addi %mul3A_247, %add3A_248 : i32
        %dma_start3A_250 = arith.constant 0 : i32
        %dma_start3A_251 = arith.constant 0 : i32
        %dma_start3A_252 = tpu.memref_slice %arg8[%dma_start3A_250, %dma_start3A_251] : memref<128x128xf32, #tpu.memory_space<vmem>> -> memref<128x128xf32, #tpu.memory_space<vmem>>
        %dma_start3A_253 = arith.constant 0 : i32
        %dma_start3A_254 = tpu.memref_slice %arg5[%add3A_249, %dma_start3A_253] : memref<50x128xi32, #tpu.memory_space<vmem>> -> memref<1x128xi32, #tpu.memory_space<vmem>>
        %dma_start3A_255 = tpu.memref_squeeze %dma_start3A_254 : memref<1x128xi32, #tpu.memory_space<vmem>> -> memref<128xi32, #tpu.memory_space<vmem>>
        %dma_start3A_256 = arith.constant 0 : i32
        %dma_start3A_257 = arith.constant 0 : i32
        %dma_start3A_258 = tpu.memref_slice %arg3[%dma_start3A_256, %dma_start3A_257] : memref<100000x128xf32, #tpu.memory_space<hbm>> -> memref<100000x128xf32, #tpu.memory_space<hbm>>
        tpu.enqueue_indirect_dma source(%dma_start3A_258 : memref<100000x128xf32, #tpu.memory_space<hbm>>) target(%dma_start3A_252 : memref<128x128xf32, #tpu.memory_space<vmem>>) offsets(%dma_start3A_255 : memref<128xi32, #tpu.memory_space<vmem>>) semaphore(%arg15 : memref<!tpu.dma_semaphore, #tpu.memory_space<semaphore_mem>>)
      } else {
      }
      %add3A_198 = arith.constant 1 : i32
      %add3A_199 = arith.addi %scan3A_104, %add3A_198 : i32
      %mul3A_200 = arith.constant 7 : i32
      %mul3A_201 = arith.muli %add3A_199, %mul3A_200 : i32
      %add3A_202 = arith.constant 3 : i32
      %add3A_203 = arith.addi %mul3A_201, %add3A_202 : i32
      %lt3A_204 = arith.constant 50 : i32
      %lt3A_205 = arith.cmpi slt, %add3A_203, %lt3A_204 : i32
      %convert_element_type3A_206 = arith.extui %lt3A_205 : i1 to i32
      %cond3A_207 = arith.constant 0 : i32
      %cond3A_208 = arith.cmpi ne, %convert_element_type3A_206, %cond3A_207 : i32
      scf.if %cond3A_208 {
        %dma_wait3A_242 = arith.constant 0 : i32
        %dma_wait3A_243 = tpu.memref_slice %arg4[%mul3A_2, %dma_wait3A_242] : memref<204800x128xf32, #tpu.memory_space<hbm>> -> memref<128x128xf32, #tpu.memory_space<hbm>>
        %dma_wait3A_244 = arith.constant 0 : i32
        %dma_wait3A_245 = tpu.memref_slice %arg4[%mul3A_2, %dma_wait3A_244] : memref<204800x128xf32, #tpu.memory_space<hbm>> -> memref<128x128xf32, #tpu.memory_space<hbm>>
        tpu.wait_dma2 semaphore(%arg23 : memref<!tpu.dma_semaphore, #tpu.memory_space<semaphore_mem>>) src(%arg9 : memref<128x128xf32, #tpu.memory_space<vmem>>) dst(%dma_wait3A_245 : memref<128x128xf32, #tpu.memory_space<hbm>>)
        %mul3A_246 = arith.constant 1 : i32
        %mul3A_247 = arith.muli %add3A_203, %mul3A_246 : i32
        %add3A_248 = arith.constant 0 : i32
        %add3A_249 = arith.addi %mul3A_247, %add3A_248 : i32
        %dma_start3A_250 = arith.constant 0 : i32
        %dma_start3A_251 = arith.constant 0 : i32
        %dma_start3A_252 = tpu.memref_slice %arg9[%dma_start3A_250, %dma_start3A_251] : memref<128x128xf32, #tpu.memory_space<vmem>> -> memref<128x128xf32, #tpu.memory_space<vmem>>
        %dma_start3A_253 = arith.constant 0 : i32
        %dma_start3A_254 = tpu.memref_slice %arg5[%add3A_249, %dma_start3A_253] : memref<50x128xi32, #tpu.memory_space<vmem>> -> memref<1x128xi32, #tpu.memory_space<vmem>>
        %dma_start3A_255 = tpu.memref_squeeze %dma_start3A_254 : memref<1x128xi32, #tpu.memory_space<vmem>> -> memref<128xi32, #tpu.memory_space<vmem>>
        %dma_start3A_256 = arith.constant 0 : i32
        %dma_start3A_257 = arith.constant 0 : i32
        %dma_start3A_258 = tpu.memref_slice %arg3[%dma_start3A_256, %dma_start3A_257] : memref<100000x128xf32, #tpu.memory_space<hbm>> -> memref<100000x128xf32, #tpu.memory_space<hbm>>
        tpu.enqueue_indirect_dma source(%dma_start3A_258 : memref<100000x128xf32, #tpu.memory_space<hbm>>) target(%dma_start3A_252 : memref<128x128xf32, #tpu.memory_space<vmem>>) offsets(%dma_start3A_255 : memref<128xi32, #tpu.memory_space<vmem>>) semaphore(%arg16 : memref<!tpu.dma_semaphore, #tpu.memory_space<semaphore_mem>>)
      } else {
      }
      %add3A_209 = arith.constant 1 : i32
      %add3A_210 = arith.addi %scan3A_104, %add3A_209 : i32
      %mul3A_211 = arith.constant 7 : i32
      %mul3A_212 = arith.muli %add3A_210, %mul3A_211 : i32
      %add3A_213 = arith.constant 4 : i32
      %add3A_214 = arith.addi %mul3A_212, %add3A_213 : i32
      %lt3A_215 = arith.constant 50 : i32
      %lt3A_216 = arith.cmpi slt, %add3A_214, %lt3A_215 : i32
      %convert_element_type3A_217 = arith.extui %lt3A_216 : i1 to i32
      %cond3A_218 = arith.constant 0 : i32
      %cond3A_219 = arith.cmpi ne, %convert_element_type3A_217, %cond3A_218 : i32
      scf.if %cond3A_219 {
        %dma_wait3A_242 = arith.constant 0 : i32
        %dma_wait3A_243 = tpu.memref_slice %arg4[%mul3A_2, %dma_wait3A_242] : memref<204800x128xf32, #tpu.memory_space<hbm>> -> memref<128x128xf32, #tpu.memory_space<hbm>>
        %dma_wait3A_244 = arith.constant 0 : i32
        %dma_wait3A_245 = tpu.memref_slice %arg4[%mul3A_2, %dma_wait3A_244] : memref<204800x128xf32, #tpu.memory_space<hbm>> -> memref<128x128xf32, #tpu.memory_space<hbm>>
        tpu.wait_dma2 semaphore(%arg24 : memref<!tpu.dma_semaphore, #tpu.memory_space<semaphore_mem>>) src(%arg10 : memref<128x128xf32, #tpu.memory_space<vmem>>) dst(%dma_wait3A_245 : memref<128x128xf32, #tpu.memory_space<hbm>>)
        %mul3A_246 = arith.constant 1 : i32
        %mul3A_247 = arith.muli %add3A_214, %mul3A_246 : i32
        %add3A_248 = arith.constant 0 : i32
        %add3A_249 = arith.addi %mul3A_247, %add3A_248 : i32
        %dma_start3A_250 = arith.constant 0 : i32
        %dma_start3A_251 = arith.constant 0 : i32
        %dma_start3A_252 = tpu.memref_slice %arg10[%dma_start3A_250, %dma_start3A_251] : memref<128x128xf32, #tpu.memory_space<vmem>> -> memref<128x128xf32, #tpu.memory_space<vmem>>
        %dma_start3A_253 = arith.constant 0 : i32
        %dma_start3A_254 = tpu.memref_slice %arg5[%add3A_249, %dma_start3A_253] : memref<50x128xi32, #tpu.memory_space<vmem>> -> memref<1x128xi32, #tpu.memory_space<vmem>>
        %dma_start3A_255 = tpu.memref_squeeze %dma_start3A_254 : memref<1x128xi32, #tpu.memory_space<vmem>> -> memref<128xi32, #tpu.memory_space<vmem>>
        %dma_start3A_256 = arith.constant 0 : i32
        %dma_start3A_257 = arith.constant 0 : i32
        %dma_start3A_258 = tpu.memref_slice %arg3[%dma_start3A_256, %dma_start3A_257] : memref<100000x128xf32, #tpu.memory_space<hbm>> -> memref<100000x128xf32, #tpu.memory_space<hbm>>
        tpu.enqueue_indirect_dma source(%dma_start3A_258 : memref<100000x128xf32, #tpu.memory_space<hbm>>) target(%dma_start3A_252 : memref<128x128xf32, #tpu.memory_space<vmem>>) offsets(%dma_start3A_255 : memref<128xi32, #tpu.memory_space<vmem>>) semaphore(%arg17 : memref<!tpu.dma_semaphore, #tpu.memory_space<semaphore_mem>>)
      } else {
      }
      %add3A_220 = arith.constant 1 : i32
      %add3A_221 = arith.addi %scan3A_104, %add3A_220 : i32
      %mul3A_222 = arith.constant 7 : i32
      %mul3A_223 = arith.muli %add3A_221, %mul3A_222 : i32
      %add3A_224 = arith.constant 5 : i32
      %add3A_225 = arith.addi %mul3A_223, %add3A_224 : i32
      %lt3A_226 = arith.constant 50 : i32
      %lt3A_227 = arith.cmpi slt, %add3A_225, %lt3A_226 : i32
      %convert_element_type3A_228 = arith.extui %lt3A_227 : i1 to i32
      %cond3A_229 = arith.constant 0 : i32
      %cond3A_230 = arith.cmpi ne, %convert_element_type3A_228, %cond3A_229 : i32
      scf.if %cond3A_230 {
        %dma_wait3A_242 = arith.constant 0 : i32
        %dma_wait3A_243 = tpu.memref_slice %arg4[%mul3A_2, %dma_wait3A_242] : memref<204800x128xf32, #tpu.memory_space<hbm>> -> memref<128x128xf32, #tpu.memory_space<hbm>>
        %dma_wait3A_244 = arith.constant 0 : i32
        %dma_wait3A_245 = tpu.memref_slice %arg4[%mul3A_2, %dma_wait3A_244] : memref<204800x128xf32, #tpu.memory_space<hbm>> -> memref<128x128xf32, #tpu.memory_space<hbm>>
        tpu.wait_dma2 semaphore(%arg25 : memref<!tpu.dma_semaphore, #tpu.memory_space<semaphore_mem>>) src(%arg11 : memref<128x128xf32, #tpu.memory_space<vmem>>) dst(%dma_wait3A_245 : memref<128x128xf32, #tpu.memory_space<hbm>>)
        %mul3A_246 = arith.constant 1 : i32
        %mul3A_247 = arith.muli %add3A_225, %mul3A_246 : i32
        %add3A_248 = arith.constant 0 : i32
        %add3A_249 = arith.addi %mul3A_247, %add3A_248 : i32
        %dma_start3A_250 = arith.constant 0 : i32
        %dma_start3A_251 = arith.constant 0 : i32
        %dma_start3A_252 = tpu.memref_slice %arg11[%dma_start3A_250, %dma_start3A_251] : memref<128x128xf32, #tpu.memory_space<vmem>> -> memref<128x128xf32, #tpu.memory_space<vmem>>
        %dma_start3A_253 = arith.constant 0 : i32
        %dma_start3A_254 = tpu.memref_slice %arg5[%add3A_249, %dma_start3A_253] : memref<50x128xi32, #tpu.memory_space<vmem>> -> memref<1x128xi32, #tpu.memory_space<vmem>>
        %dma_start3A_255 = tpu.memref_squeeze %dma_start3A_254 : memref<1x128xi32, #tpu.memory_space<vmem>> -> memref<128xi32, #tpu.memory_space<vmem>>
        %dma_start3A_256 = arith.constant 0 : i32
        %dma_start3A_257 = arith.constant 0 : i32
        %dma_start3A_258 = tpu.memref_slice %arg3[%dma_start3A_256, %dma_start3A_257] : memref<100000x128xf32, #tpu.memory_space<hbm>> -> memref<100000x128xf32, #tpu.memory_space<hbm>>
        tpu.enqueue_indirect_dma source(%dma_start3A_258 : memref<100000x128xf32, #tpu.memory_space<hbm>>) target(%dma_start3A_252 : memref<128x128xf32, #tpu.memory_space<vmem>>) offsets(%dma_start3A_255 : memref<128xi32, #tpu.memory_space<vmem>>) semaphore(%arg18 : memref<!tpu.dma_semaphore, #tpu.memory_space<semaphore_mem>>)
      } else {
      }
      %add3A_231 = arith.constant 1 : i32
      %add3A_232 = arith.addi %scan3A_104, %add3A_231 : i32
      %mul3A_233 = arith.constant 7 : i32
      %mul3A_234 = arith.muli %add3A_232, %mul3A_233 : i32
      %add3A_235 = arith.constant 6 : i32
      %add3A_236 = arith.addi %mul3A_234, %add3A_235 : i32
      %lt3A_237 = arith.constant 50 : i32
      %lt3A_238 = arith.cmpi slt, %add3A_236, %lt3A_237 : i32
      %convert_element_type3A_239 = arith.extui %lt3A_238 : i1 to i32
      %cond3A_240 = arith.constant 0 : i32
      %cond3A_241 = arith.cmpi ne, %convert_element_type3A_239, %cond3A_240 : i32
      scf.if %cond3A_241 {
        %dma_wait3A_242 = arith.constant 0 : i32
        %dma_wait3A_243 = tpu.memref_slice %arg4[%mul3A_2, %dma_wait3A_242] : memref<204800x128xf32, #tpu.memory_space<hbm>> -> memref<128x128xf32, #tpu.memory_space<hbm>>
        %dma_wait3A_244 = arith.constant 0 : i32
        %dma_wait3A_245 = tpu.memref_slice %arg4[%mul3A_2, %dma_wait3A_244] : memref<204800x128xf32, #tpu.memory_space<hbm>> -> memref<128x128xf32, #tpu.memory_space<hbm>>
        tpu.wait_dma2 semaphore(%arg26 : memref<!tpu.dma_semaphore, #tpu.memory_space<semaphore_mem>>) src(%arg12 : memref<128x128xf32, #tpu.memory_space<vmem>>) dst(%dma_wait3A_245 : memref<128x128xf32, #tpu.memory_space<hbm>>)
        %mul3A_246 = arith.constant 1 : i32
        %mul3A_247 = arith.muli %add3A_236, %mul3A_246 : i32
        %add3A_248 = arith.constant 0 : i32
        %add3A_249 = arith.addi %mul3A_247, %add3A_248 : i32
        %dma_start3A_250 = arith.constant 0 : i32
        %dma_start3A_251 = arith.constant 0 : i32
        %dma_start3A_252 = tpu.memref_slice %arg12[%dma_start3A_250, %dma_start3A_251] : memref<128x128xf32, #tpu.memory_space<vmem>> -> memref<128x128xf32, #tpu.memory_space<vmem>>
        %dma_start3A_253 = arith.constant 0 : i32
        %dma_start3A_254 = tpu.memref_slice %arg5[%add3A_249, %dma_start3A_253] : memref<50x128xi32, #tpu.memory_space<vmem>> -> memref<1x128xi32, #tpu.memory_space<vmem>>
        %dma_start3A_255 = tpu.memref_squeeze %dma_start3A_254 : memref<1x128xi32, #tpu.memory_space<vmem>> -> memref<128xi32, #tpu.memory_space<vmem>>
        %dma_start3A_256 = arith.constant 0 : i32
        %dma_start3A_257 = arith.constant 0 : i32
        %dma_start3A_258 = tpu.memref_slice %arg3[%dma_start3A_256, %dma_start3A_257] : memref<100000x128xf32, #tpu.memory_space<hbm>> -> memref<100000x128xf32, #tpu.memory_space<hbm>>
        tpu.enqueue_indirect_dma source(%dma_start3A_258 : memref<100000x128xf32, #tpu.memory_space<hbm>>) target(%dma_start3A_252 : memref<128x128xf32, #tpu.memory_space<vmem>>) offsets(%dma_start3A_255 : memref<128xi32, #tpu.memory_space<vmem>>) semaphore(%arg19 : memref<!tpu.dma_semaphore, #tpu.memory_space<semaphore_mem>>)
      } else {
      }
    }
    %scan3A_76 = arith.constant 8 : i32
    %dma_wait3A = arith.constant 0 : i32
    %dma_wait3A_77 = tpu.memref_slice %arg4[%mul3A_2, %dma_wait3A] : memref<204800x128xf32, #tpu.memory_space<hbm>> -> memref<128x128xf32, #tpu.memory_space<hbm>>
    %dma_wait3A_78 = arith.constant 0 : i32
    %dma_wait3A_79 = tpu.memref_slice %arg4[%mul3A_2, %dma_wait3A_78] : memref<204800x128xf32, #tpu.memory_space<hbm>> -> memref<128x128xf32, #tpu.memory_space<hbm>>
    tpu.wait_dma2 semaphore(%arg20 : memref<!tpu.dma_semaphore, #tpu.memory_space<semaphore_mem>>) src(%arg6 : memref<128x128xf32, #tpu.memory_space<vmem>>) dst(%dma_wait3A_79 : memref<128x128xf32, #tpu.memory_space<hbm>>)
    %dma_wait3A_80 = arith.constant 0 : i32
    %dma_wait3A_81 = tpu.memref_slice %arg4[%mul3A_2, %dma_wait3A_80] : memref<204800x128xf32, #tpu.memory_space<hbm>> -> memref<128x128xf32, #tpu.memory_space<hbm>>
    %dma_wait3A_82 = arith.constant 0 : i32
    %dma_wait3A_83 = tpu.memref_slice %arg4[%mul3A_2, %dma_wait3A_82] : memref<204800x128xf32, #tpu.memory_space<hbm>> -> memref<128x128xf32, #tpu.memory_space<hbm>>
    tpu.wait_dma2 semaphore(%arg21 : memref<!tpu.dma_semaphore, #tpu.memory_space<semaphore_mem>>) src(%arg7 : memref<128x128xf32, #tpu.memory_space<vmem>>) dst(%dma_wait3A_83 : memref<128x128xf32, #tpu.memory_space<hbm>>)
    %dma_wait3A_84 = arith.constant 0 : i32
    %dma_wait3A_85 = tpu.memref_slice %arg4[%mul3A_2, %dma_wait3A_84] : memref<204800x128xf32, #tpu.memory_space<hbm>> -> memref<128x128xf32, #tpu.memory_space<hbm>>
    %dma_wait3A_86 = arith.constant 0 : i32
    %dma_wait3A_87 = tpu.memref_slice %arg4[%mul3A_2, %dma_wait3A_86] : memref<204800x128xf32, #tpu.memory_space<hbm>> -> memref<128x128xf32, #tpu.memory_space<hbm>>
    tpu.wait_dma2 semaphore(%arg22 : memref<!tpu.dma_semaphore, #tpu.memory_space<semaphore_mem>>) src(%arg8 : memref<128x128xf32, #tpu.memory_space<vmem>>) dst(%dma_wait3A_87 : memref<128x128xf32, #tpu.memory_space<hbm>>)
    %dma_wait3A_88 = arith.constant 0 : i32
    %dma_wait3A_89 = tpu.memref_slice %arg4[%mul3A_2, %dma_wait3A_88] : memref<204800x128xf32, #tpu.memory_space<hbm>> -> memref<128x128xf32, #tpu.memory_space<hbm>>
    %dma_wait3A_90 = arith.constant 0 : i32
    %dma_wait3A_91 = tpu.memref_slice %arg4[%mul3A_2, %dma_wait3A_90] : memref<204800x128xf32, #tpu.memory_space<hbm>> -> memref<128x128xf32, #tpu.memory_space<hbm>>
    tpu.wait_dma2 semaphore(%arg23 : memref<!tpu.dma_semaphore, #tpu.memory_space<semaphore_mem>>) src(%arg9 : memref<128x128xf32, #tpu.memory_space<vmem>>) dst(%dma_wait3A_91 : memref<128x128xf32, #tpu.memory_space<hbm>>)
    %dma_wait3A_92 = arith.constant 0 : i32
    %dma_wait3A_93 = tpu.memref_slice %arg4[%mul3A_2, %dma_wait3A_92] : memref<204800x128xf32, #tpu.memory_space<hbm>> -> memref<128x128xf32, #tpu.memory_space<hbm>>
    %dma_wait3A_94 = arith.constant 0 : i32
    %dma_wait3A_95 = tpu.memref_slice %arg4[%mul3A_2, %dma_wait3A_94] : memref<204800x128xf32, #tpu.memory_space<hbm>> -> memref<128x128xf32, #tpu.memory_space<hbm>>
    tpu.wait_dma2 semaphore(%arg24 : memref<!tpu.dma_semaphore, #tpu.memory_space<semaphore_mem>>) src(%arg10 : memref<128x128xf32, #tpu.memory_space<vmem>>) dst(%dma_wait3A_95 : memref<128x128xf32, #tpu.memory_space<hbm>>)
    %dma_wait3A_96 = arith.constant 0 : i32
    %dma_wait3A_97 = tpu.memref_slice %arg4[%mul3A_2, %dma_wait3A_96] : memref<204800x128xf32, #tpu.memory_space<hbm>> -> memref<128x128xf32, #tpu.memory_space<hbm>>
    %dma_wait3A_98 = arith.constant 0 : i32
    %dma_wait3A_99 = tpu.memref_slice %arg4[%mul3A_2, %dma_wait3A_98] : memref<204800x128xf32, #tpu.memory_space<hbm>> -> memref<128x128xf32, #tpu.memory_space<hbm>>
    tpu.wait_dma2 semaphore(%arg25 : memref<!tpu.dma_semaphore, #tpu.memory_space<semaphore_mem>>) src(%arg11 : memref<128x128xf32, #tpu.memory_space<vmem>>) dst(%dma_wait3A_99 : memref<128x128xf32, #tpu.memory_space<hbm>>)
    %dma_wait3A_100 = arith.constant 0 : i32
    %dma_wait3A_101 = tpu.memref_slice %arg4[%mul3A_2, %dma_wait3A_100] : memref<204800x128xf32, #tpu.memory_space<hbm>> -> memref<128x128xf32, #tpu.memory_space<hbm>>
    %dma_wait3A_102 = arith.constant 0 : i32
    %dma_wait3A_103 = tpu.memref_slice %arg4[%mul3A_2, %dma_wait3A_102] : memref<204800x128xf32, #tpu.memory_space<hbm>> -> memref<128x128xf32, #tpu.memory_space<hbm>>
    tpu.wait_dma2 semaphore(%arg26 : memref<!tpu.dma_semaphore, #tpu.memory_space<semaphore_mem>>) src(%arg12 : memref<128x128xf32, #tpu.memory_space<vmem>>) dst(%dma_wait3A_103 : memref<128x128xf32, #tpu.memory_space<hbm>>)
    return
  }
}

</mosaic_0001>

<sc_bundles>
// kernel: kernel.3.cloned.1.call-start
scs
__scs_entry_jumppad:
0x0: {  	(pc) =	sbr.rel $0x88, $3  }
0x1: {  	(tag) =	ssettag $0x0;
	lr =	simm.s32 $0x1  }
0x2: {  	[smem:$0x3F9F] =	sst lr;
	_ =	strace $0xD0000000  }
0x3: {  	_ = 	snop  }
0x4: {  	_ = 	snop  }
0x5: {  	_ = 	snop  }
0x6: {  	_ = 	snop  }
0x7: {  	_ = 	snop  }
__scs_overlays_trampoline_lowered:
0x8: {  	[smem:$0x3FAE] =	sst s0  }
0x9: {  	[smem:$0x3FAF] =	sst s1  }
0xa: {  	[smem:$0x3FB0] =	sst s2  }
0xb: {  	[smem:$0x3FB1] =	sst s3  }
0xc: {  	[smem:$0x3FB2] =	sst s4  }
0xd: {  	[smem:$0x3FB3] =	sst s5  }
0xe: {  	[smem:$0x3FB4] =	sst s6  }
0xf: {  	[smem:$0x3FB5] =	sst s7  }
0x10: {  	[smem:$0x3FB6] =	sst s8  }
0x11: {  	[smem:$0x3FB7] =	sst s9;
	s0 =	simm.s32 @!p0 $0x0  }
0x12: {  	s1 =	sld [smem:$0x3F9D];
	s0 =	simm.s32 @p0 $0x1  }
0x13: {  	[smem:$0x3FB8] =	sst s0;
	s0 =	simm.s32 @!p1 $0x0  }
0x14: {  	s2 =	sld [smem:$0x3F9C];
	s0 =	simm.s32 @p1 $0x1  }
0x15: {  	[smem:$0x3FB9] =	sst s0;
	s0 =	simm.s32 @!p2 $0x0  }
0x16: {  	s3 =	sld [smem:$0x3FDB];
	s0 =	simm.s32 @p2 $0x1  }
0x17: {  	s4 =	simm.s32 $0x1BF5;
	[smem:$0x3FBB] =	sst s0  }
0x18: {  	s0 =	sld [smem:$0x3F9E];
	_ =	swait.ge [sflag:s4], $0x0  }
0x19: {  	s7 =	sld [smem:$0x3F9F]  }
0x1a: {  	s8 =	sadd.s32 $0xFFFFE003, lr  }
0x1b: {  	s9 =	sadd.s32 $0xFFFFFEF7, lr;
	s5 =	simm.s32 $0xFFFFFFFF;
	p2 =	slt.u32 s8, $0xFFFFF086  }
0x1c: {  	p1 =	slt.u32 s9, $0xF7A;
	s5 =	simm.s32 @!p2 $0x0  }
0x1d: {  	s5 =	simm.s32 @p1 $0x1;
	p0 =	seq.s32 s7, s2  }
0x1e: {  	s7 =	smul.u32 @!p0 $0xF7A, s2;
	p2 =	seq.s32 @!p0 s5, $0x0  }
0x1f: {  	s9 =	smul.u32 $0xF7A, s1;
	s8 =	simm.s32 @!p0 $0x1BF5;
	p2 =	por !p2, p0  }
0x20: {  	[sflag:s8] =	ssyncset.s32 @!p0 $0xFFFFF086;
	s6 =	sadd.s32 @!p0 s3, s7;
	s7 =	simm.s32 @!p0 $0x108  }
0x21: {  	s3 =	sadd.s32 s3, s9;
	s6 =	sadd.s32 @!p0 $0x88, s6;
	s7 =	simm.s32 @p2 $0x1082  }
0x22: {  	[simem:s7], [sflag:s8] =	dma.local @!p0 [hbm:s6], $0xF7A  }
0x23: {  	s9 =	sor.u32 $0xD0000000, s2;
	s6 =	simm.s32 $0x108;
	_ =	swait.ge @!p0 [sflag:s8], $0x0  }
0x24: {  	s3 =	sadd.s32 $0x88, s3;
	s6 =	simm.s32 @!p1 $0x1082;
	[sflag:s4] =	ssyncset.s32 $0xFFFFF086  }
0x25: {  	[simem:s6], [sflag:s4] =	dma.local [hbm:s3], $0xF7A  }
0x26: {  	[smem:$0x3F9F] =	sst s1;
	(tag) =	ssettag s2;
	_ =	strace s9  }
0x27: {  	s1 =	sld [smem:$0x3FAF]  }
0x28: {  	s2 =	sld [smem:$0x3FB0]  }
0x29: {  	s4 =	sld [smem:$0x3FB2]  }
0x2a: {  	p0 =	seq.s32 s5, $0x0;
	s5 =	sld [smem:$0x3FB3]  }
0x2b: {  	s6 =	sld [smem:$0x3FB4]  }
0x2c: {  	s7 =	sld [smem:$0x3FB5]  }
0x2d: {  	s3 =	simm.s32 $0x108;
	s8 =	sld [smem:$0x3FB6]  }
0x2e: {  	s3 =	simm.s32 @!p0 $0x1082;
	s9 =	sld [smem:$0x3FB7]  }
0x2f: {  	lr =	sadd.s32 s0, s3;
	s0 =	sld [smem:$0x3FAE]  }
0x30: {  	s3 =	sld [smem:$0x3FB1]  }
0x31: {  	[smem:$0x3FBA] =	sst s10  }
0x32: {  	s10 =	sld [smem:$0x3FB8];
	_ =	sdelay $0x3  }
0x33: {  	p0 =	seq.s32 s10, $0x1;
	s10 =	sld [smem:$0x3FBA];
	_ =	sdelay $0x3  }
0x34: {  	[smem:$0x3FBA] =	sst s10  }
0x35: {  	s10 =	sld [smem:$0x3FB9];
	_ =	sdelay $0x3  }
0x36: {  	p1 =	seq.s32 s10, $0x1;
	s10 =	sld [smem:$0x3FBA];
	_ =	sdelay $0x3  }
0x37: {  	[smem:$0x3FBA] =	sst s10  }
0x38: {  	s10 =	sld [smem:$0x3FBB]  }
0x39: {  	_ = 	snop;
	(pc) =	sbr.ind lr, $3  }
0x3a: {  	_ = 	snop  }
0x3b: {  	_ = 	snop  }
0x3c: {  	p2 =	seq.s32 s10, $0x1;
	s10 =	sld [smem:$0x3FBA]  }
0x3d: {  	_ =	shalt  }
0x3e: {  	_ =	shalt  }
0x3f: {  	_ =	shalt  }
0x40: {  	_ =	shalt  }
0x41: {  	_ =	shalt  }
0x42: {  	_ =	shalt  }
0x43: {  	_ =	shalt  }
0x44: {  	_ =	shalt  }
0x45: {  	_ =	shalt  }
0x46: {  	_ =	shalt  }
0x47: {  	_ =	shalt  }
0x48: {  	_ =	shalt  }
0x49: {  	_ =	shalt  }
0x4a: {  	_ =	shalt  }
0x4b: {  	_ =	shalt  }
0x4c: {  	_ =	shalt  }
0x4d: {  	_ =	shalt  }
0x4e: {  	_ =	shalt  }
0x4f: {  	_ =	shalt  }
0x50: {  	_ =	shalt  }
0x51: {  	_ =	shalt  }
0x52: {  	_ =	shalt  }
0x53: {  	_ =	shalt  }
0x54: {  	_ =	shalt  }
0x55: {  	_ =	shalt  }
0x56: {  	_ =	shalt  }
0x57: {  	_ =	shalt  }
0x58: {  	_ =	shalt  }
0x59: {  	_ =	shalt  }
0x5a: {  	_ =	shalt  }
0x5b: {  	_ =	shalt  }
0x5c: {  	_ =	shalt  }
0x5d: {  	_ =	shalt  }
0x5e: {  	_ =	shalt  }
0x5f: {  	_ =	shalt  }
0x60: {  	_ =	shalt  }
0x61: {  	_ =	shalt  }
0x62: {  	_ =	shalt  }
0x63: {  	_ =	shalt  }
0x64: {  	_ =	shalt  }
0x65: {  	_ =	shalt  }
0x66: {  	_ =	shalt  }
0x67: {  	_ =	shalt  }
0x68: {  	_ =	shalt  }
0x69: {  	_ =	shalt  }
0x6a: {  	_ =	shalt  }
0x6b: {  	_ =	shalt  }
0x6c: {  	_ =	shalt  }
0x6d: {  	_ =	shalt  }
0x6e: {  	_ =	shalt  }
0x6f: {  	_ =	shalt  }
0x70: {  	_ =	shalt  }
0x71: {  	_ =	shalt  }
0x72: {  	_ =	shalt  }
0x73: {  	_ =	shalt  }
0x74: {  	_ =	shalt  }
0x75: {  	_ =	shalt  }
0x76: {  	_ =	shalt  }
0x77: {  	_ =	shalt  }
0x78: {  	_ =	shalt  }
0x79: {  	_ =	shalt  }
0x7a: {  	_ =	shalt  }
0x7b: {  	_ =	shalt  }
0x7c: {  	_ =	shalt  }
0x7d: {  	_ =	shalt  }
0x7e: {  	_ =	shalt  }
0x7f: {  	_ =	shalt  }
0x80: {  	_ =	shalt  }
0x81: {  	_ =	shalt  }
0x82: {  	_ =	shalt  }
0x83: {  	_ =	shalt  }
0x84: {  	_ =	shalt  }
0x85: {  	_ =	shalt  }
0x86: {  	_ =	shalt  }
0x87: {  	_ =	shalt  }
.Lfunc_end0:
.L_simem_size_0:
called_computation_lowered:
.L_overlay_start_0:
0x88: {  	s2 =	sld [smem:$0x3FD9]  }
0x89: {  	s3 =	sld [smem:$0x3FFE];
	_ =	sdelay $0x1  }
0x8a: {  	s1 =	srdreg.scid  }
0x8b: {  	s0 =	sand.u32 $0x1, s1  }
0x8c: {  	s17 =	sshll.u32 s0, $0xA;
	s2 =	sadd.s32 s3, s2  }
0x8d: {  	s2 =	sadd.s32 s2, s17  }
0x8e: {  	[smem:$0x3FC6] =	sst s2  }
0x8f: {  	_ = 	snop  }
0x90: {  	s2 =	sld [smem:$0x3FC8]  }
0x91: {  	s18 =	sld [smem:$0x3FD0];
	(tm) =	ssettm $0x1  }
0x92: {  	s4 =	sld [smem:$0x3FFB];
	_ =	sdelay $0x3  }
0x93: {  	_ =	strace s4  }
0x94: {  	s4 =	sld [smem:$0x3FFC];
	_ =	sdelay $0x3  }
0x95: {  	_ =	strace s4  }
0x96: {  	s4 =	sld [smem:$0x3FFD];
	_ =	sdelay $0x3  }
0x97: {  	_ =	strace s4  }
0x98: {  	_ =	strace $0x8FFFFFFF  }
0x99: {  	s19 =	sld [smem:$0x3FDB];
	_ =	sdelay $0x1  }
0x9a: {  	s5 =	simm.s32 $_scs_section_size  }
0x9b: {  	s6 =	simm.s32 $_size__tile_overlayer_lowered;
	s7 =	simm.s32 $_tile_overlayer_lowered  }
0x9c: {  	s22 =	simm.s32 $0x1BFF;
	s21 =	sshll.u32 s7, $0x1;
	s4 =	sadd.s32 s5, s19  }
0x9d: {  	s8 =	simm.s32 $0x0;
	s20 =	sshll.u32 s6, $0x1;
	s6 =	sadd.s32 s21, s4  }
0x9e: {  	[timem:s8], [sflag:s22] =	dma.local [hbm:s6], s20  }
0x9f: {  	_ =	swait.ge [sflag:s22], s20  }
0xa0: {  	s5 =	ssub.s32 $0x0, s20;
	[sflag:s22] =	ssyncset.done $0x0  }
0xa1: {  	[sflag:s22] =	ssyncadd.s32 s5;
	_ =	sdelay $0x1  }
0xa2: {  	s23 =	simm.s32 $0x1B8B  }
0xa3: {  	_ =	swait.ge [sflag:s23], $0x1  }
0xa4: {  	[sflag:s23] =	ssyncset.done $0x0  }
0xa5: {  	s25 =	simm.s32 $0x1B8E;
	s24 =	sld [smem:$0x3FFE];
	[sflag:s23] =	ssyncadd.s32 $0xFFFFFFFF  }
0xa6: {  	s26 =	simm.s32 $execute0_lowered;
	[smem:$0x3FD2] =	sst s25  }
0xa7: {  	s6 =	sshll.u32 s26, $0x1;
	_ =	strace $0x80000046;
	[dreg:$0x1] =	wrdreg $0xFFFFFFFF  }
0xa8: {  	s28 =	simm.s32 $_size_execute0_lowered;
	s4 =	sadd.s32 s4, s6;
	[dreg:$0x0] =	wrdreg $0x0  }
0xa9: {  	s6 =	sshll.u32 s28, $0x1;
	[dreg:$0x2] =	wrdreg s4  }
0xaa: {  	[dreg:$0x3] =	wrdreg s6  }
0xab: {  	[dreg:$0x4] =	wrdreg $0xC0  }
0xac: {  	_ =	task [dreg:s8], $0x5FFFF  }
0xad: {  	[dreg:$0x1] =	wrdreg $0xFFFFFFFF  }
0xae: {  	[dreg:$0x0] =	wrdreg $0x60  }
0xaf: {  	[dreg:$0x2] =	wrdreg s24  }
0xb0: {  	[dreg:$0x3] =	wrdreg s2  }
0xb1: {  	[dreg:$0x4] =	wrdreg s18  }
0xb2: {  	[dreg:$0x5] =	wrdreg $0x9  }
0xb3: {  	_ =	task.clear_ibuf [dreg:s8], $0x6FFFF;
	_ =	strace $0x90000046  }
0xb4: {  	s29 =	simm.s32 $0x9;
	_ =	strace $0x80000048  }
0xb5: {  	_ =	swait.ge [sflag:s29], $0x1  }
0xb6: {  	[sflag:s29] =	ssyncadd.s32 $0xFFFFFFFF  }
0xb7: {  	_ =	strace $0x90000048  }
0xb8: {  	_ =	sfence  }
0xb9: {  	s30 =	sld [smem:$0x0];
	_ =	sdelay $0x2  }
0xba: {  	s31 =	sshll.u32 s1, $0xD;
	s1 =	sshrl.u32 s1, $0x2  }
0xbb: {  	s3 =	sand.u32 $0x4000, s31;
	s1 =	sadd.s32 s1, s30  }
0xbc: {  	s0 =	sor.u32 s3, s0;
	s1 =	sshll.u32 s1, $0x11  }
0xbd: {  	s0 =	sor.u32 s1, s0  }
0xbe: {  	s0 =	sadd.s32 $0x8F2B, s0  }
0xbf: {  	[sflag:s0] =	ssyncadd.remote.s32 $0x1  }
0xc0: {  	_ =	sfence.sel $0xFFFF  }
0xc1: {  	[dreg:$0x0] =	wrdreg $0xFFFFFFFF;
	(pc) =	sbr.abs _section_cstart, $3  }
0xc2: {  	[dreg:$0x1] =	wrdreg $0xFFFFFFFF  }
0xc3: {  	_ =	task.clear_ibuf [dreg:s8], $0x2FFFF;
	_ =	strace $0x9FFFFFFF  }
0xc4: {  	(tm) =	ssettm $0x7FFFFFFF  }
0xc5: {  	_ =	shalt  }
tec
execute0_lowered:
.L_overlay_start_1:
0x0: {  	(tag) =	ssettag $0x1  }
0x1: {  	s0 =	rddreg [dreg:$0x0]  }
0x2: {  	s2 =	rddreg [dreg:$0x1];
	s1 =	srdreg.scid  }
0x3: {  	s4 =	stileid.u32;
	s3 =	rddreg [dreg:$0x2];
	s16 =	simm.s32 $0x80  }
0x4: {  	s17 =	simm.s32 $0x1C00;
	s18 =	simm.s32 $0x5C00;
	s20 =	simm.s32 $0x9C00  }
0x5: {  	s22 =	simm.s32 $0xDC00;
	s24 =	simm.s32 $0x11C00;
	s26 =	simm.s32 $0x15C00  }
0x6: {  	s29 =	simm.s32 $0x19C00;
	s30 =	simm.s32 $0x1;
	s31 =	simm.s32 $0x2  }
0x7: {  	s19 =	simm.s32 $0x5;
	s21 =	simm.s32 $0x6;
	s23 =	simm.s32 $0x7  }
0x8: {  	s25 =	simm.s32 $0x8;
	s1 =	sand.u32 $0x1, s1;
	s5 =	sshll.u32 s4, $0x1  }
0x9: {  	s14 =	simm.s32 $0x0;
	s4 =	simm.s32 $0x0;
	s6 =	sor.u32 s1, s5  }
0xa: {  	[smem:$0x7FF] =	sst s4;
	s1 =	ssub.s32 $0x2, s1;
	s5 =	smul.u32 $0x380, s6  }
0xb: {  	_ =	strace $0x80000047;
	s7 =	sshrl.u32 s1, $0x1;
	s12 =	smul.u32 $0xC8000, s6  }
0xc: {  	s28 =	smul.u32 $0x19000, s6;
	s1 =	ssub.s32 s1, s7;
	s0 =	sadd.s32 s5, s0  }
0xd: {  	s5 =	smul.u32 $0x1900, s6;
	s7 =	sor.u32 $0x4000, s12;
	s8 =	sadd.s32 $0x8000, s12  }
0xe: {  	s9 =	sadd.s32 $0xC000, s12;
	s10 =	sadd.s32 $0x10000, s12;
	s1 =	smax.u32 s1, $0x1  }
0xf: {  	s11 =	sadd.s32 $0x14000, s12;
	s0 =	sadd.s32 $0x400, s0;
	[dreg:$0x5] =	wrdreg s1  }
0x10: {  	s12 =	sadd.s32 $0x18000, s12;
	[dreg:$0x4] =	wrdreg s0;
	s0 =	sadd.s32 s3, s28  }
0x11: {  	s1 =	simm.s32 $0x3;
	[dreg:$0x6] =	wrdreg s0;
	s0 =	simm.s32 $0x4  }
.LBB2_1:
0x12: {  	[dreg:$0x7] =	wrdreg s14  }
0x13: {  	s6 =	rddreg [dreg:$0x4];
	s14 =	simm.s32 $0xF  }
0x14: {  	[tilespmem:s4], [sflag:$0xF] =	stream.linear.gather [hbm4b:s6+s4], $0x1900, $0x38;
	[tilespmem:$0x1DC00] =	vst v63  }
0x15: {  	_ =	swait.ge [sflag:s14], $0x1900  }
0x16: {  	[sflag:s14] =	ssyncset.done $0x0  }
0x17: {  	[sflag:s14] =	ssyncadd.s32 $0xFFFFE700  }
0x18: {  	[tilespmem:s17], [sflag:$0x1] =	stream.indirect.gather [hbm4b:s2+s16], $0x80, s4, s16, $0xb8;
	[tilespmem:$0x1DC00] =	vst v63  }
0x19: {  	_ = 	snop  }
0x1a: {  	[tilespmem:s18], [sflag:$0x2] =	stream.indirect.gather [hbm4b:s2+s16], $0x80, s16, s16, $0xb8;
	[tilespmem:$0x1DC00] =	vst v63  }
0x1b: {  	s15 =	simm.s32 $0x100  }
0x1c: {  	[tilespmem:s20], [sflag:$0x3] =	stream.indirect.gather [hbm4b:s2+s16], $0x80, s15, s16, $0xb8;
	[tilespmem:$0x1DC00] =	vst v63  }
0x1d: {  	s28 =	simm.s32 $0x180  }
0x1e: {  	[tilespmem:s22], [sflag:$0x4] =	stream.indirect.gather [hbm4b:s2+s16], $0x80, s28, s16, $0xb8;
	[tilespmem:$0x1DC00] =	vst v63  }
0x1f: {  	s13 =	simm.s32 $0x200  }
0x20: {  	[tilespmem:s24], [sflag:$0x5] =	stream.indirect.gather [hbm4b:s2+s16], $0x80, s13, s16, $0xb8;
	[tilespmem:$0x1DC00] =	vst v63  }
0x21: {  	s14 =	simm.s32 $0x280  }
0x22: {  	[tilespmem:s26], [sflag:$0x6] =	stream.indirect.gather [hbm4b:s2+s16], $0x80, s14, s16, $0xb8;
	[tilespmem:$0x1DC00] =	vst v63  }
0x23: {  	s15 =	simm.s32 $0x300  }
0x24: {  	[tilespmem:s29], [sflag:$0x7] =	stream.indirect.gather [hbm4b:s2+s16], $0x80, s15, s16, $0xb8;
	[tilespmem:$0x1DC00] =	vst v63  }
0x25: {  	_ =	swait.ge [sflag:s30], $0x4000  }
0x26: {  	[sflag:s30] =	ssyncset.done $0x0  }
0x27: {  	s13 =	simm.s32 $0x0;
	s28 =	rddreg [dreg:$0x6];
	[sflag:s30] =	ssyncadd.s32 $0xFFFFC000  }
0x28: {  	[hbm4b:s28+s4] =	stream.linear.scatter [tilespmem:s17], [sflag:$0x8], $0x4000, $0x38;
	[tilespmem:$0x1DC00] =	vst v63  }
.LBB2_2:
0x29: {  	s14 =	smul.u32 $0x1C000, s13;
	_ =	sdelay $0x1  }
0x2a: {  	_ =	swait.ge [sflag:s31], $0x4000;
	s15 =	sadd.s32 s7, s14  }
0x2b: {  	[sflag:s31] =	ssyncset.done $0x0;
	s15 =	sshrl.u32 s15, $0x3  }
0x2c: {  	[sflag:s31] =	ssyncadd.s32 $0xFFFFC000;
	s15 =	sadd.s32 s3, s15  }
0x2d: {  	[hbm4b:s15+s4] =	stream.linear.scatter [tilespmem:s18], [sflag:$0x9], $0x4000, $0x38;
	[tilespmem:$0x1DC00] =	vst v63  }
0x2e: {  	s6 =	sadd.s32 s8, s14;
	_ =	swait.ge [sflag:s1], $0x4000  }
0x2f: {  	s15 =	sshrl.u32 s6, $0x3;
	[sflag:s1] =	ssyncset.done $0x0  }
0x30: {  	s15 =	sadd.s32 s3, s15;
	[sflag:s1] =	ssyncadd.s32 $0xFFFFC000  }
0x31: {  	[hbm4b:s15+s4] =	stream.linear.scatter [tilespmem:s20], [sflag:$0xA], $0x4000, $0x38;
	[tilespmem:$0x1DC00] =	vst v63  }
0x32: {  	s28 =	sadd.s32 s9, s14;
	_ =	swait.ge [sflag:s0], $0x4000  }
0x33: {  	s15 =	sshrl.u32 s28, $0x3;
	[sflag:s0] =	ssyncset.done $0x0  }
0x34: {  	s15 =	sadd.s32 s3, s15;
	[sflag:s0] =	ssyncadd.s32 $0xFFFFC000  }
0x35: {  	[hbm4b:s15+s4] =	stream.linear.scatter [tilespmem:s22], [sflag:$0xB], $0x4000, $0x38;
	[tilespmem:$0x1DC00] =	vst v63  }
0x36: {  	s6 =	sadd.s32 s10, s14;
	_ =	swait.ge [sflag:s19], $0x4000  }
0x37: {  	s15 =	sshrl.u32 s6, $0x3;
	[sflag:s19] =	ssyncset.done $0x0  }
0x38: {  	s15 =	sadd.s32 s3, s15;
	[sflag:s19] =	ssyncadd.s32 $0xFFFFC000  }
0x39: {  	[hbm4b:s15+s4] =	stream.linear.scatter [tilespmem:s24], [sflag:$0xC], $0x4000, $0x38;
	[tilespmem:$0x1DC00] =	vst v63  }
0x3a: {  	s28 =	sadd.s32 s11, s14;
	_ =	swait.ge [sflag:s21], $0x4000  }
0x3b: {  	s15 =	sshrl.u32 s28, $0x3;
	[sflag:s21] =	ssyncset.done $0x0  }
0x3c: {  	s15 =	sadd.s32 s3, s15;
	[sflag:s21] =	ssyncadd.s32 $0xFFFFC000  }
0x3d: {  	[hbm4b:s15+s4] =	stream.linear.scatter [tilespmem:s26], [sflag:$0xD], $0x4000, $0x38;
	[tilespmem:$0x1DC00] =	vst v63  }
0x3e: {  	s14 =	sadd.s32 s12, s14;
	_ =	swait.ge [sflag:s23], $0x4000  }
0x3f: {  	s14 =	sshrl.u32 s14, $0x3;
	[sflag:s23] =	ssyncset.done $0x0  }
0x40: {  	s14 =	sadd.s32 s3, s14;
	[sflag:s23] =	ssyncadd.s32 $0xFFFFC000  }
0x41: {  	[hbm4b:s14+s4] =	stream.linear.scatter [tilespmem:s29], [sflag:$0xE], $0x4000, $0x38;
	[tilespmem:$0x1DC00] =	vst v63  }
0x42: {  	s14 =	sadd.s32 $0x1, s13  }
0x43: {  	_ =	swait.ge [sflag:s25], $0x4000;
	s6 =	smul.u32 $0xE00, s14  }
0x44: {  	p0 =	sgt.u32 s13, $0x5;
	[sflag:s25] =	ssyncset.done $0x0  }
0x45: {  	s13 =	simm.s32 @!p0 $0x9;
	[sflag:s25] =	ssyncadd.s32 $0xFFFFC000;
	s15 =	sshra.s32 s6, $0x2  }
0x46: {  	[tilespmem:s17], [sflag:$0x1] =	stream.indirect.gather [hbm4b:s2+s16], $0x80, s15, s16, $0xb8;
	[tilespmem:$0x1DC00] =	vst v63  }
0x47: {  	_ =	swait.ge @!p0 [sflag:s13], $0x4000  }
0x48: {  	s28 =	simm.s32 @!p0 $0x80;
	[sflag:s13] =	ssyncset.done @!p0 $0x0  }
0x49: {  	s6 =	simm.s32 @!p0 $0x5C00;
	[sflag:s13] =	ssyncadd.s32 @!p0 $0xFFFFC000;
	s13 =	sadd.s32 @!p0 $0x80, s15  }
0x4a: {  	[tilespmem:s6], [sflag:$0x2] =	stream.indirect.gather @!p0 [hbm4b:s2+s28], $0x80, s13, s28, $0xb8;
	[tilespmem:$0x1DC00] =	vst v63  }
0x4b: {  	s6 =	simm.s32 @!p0 $0xA  }
0x4c: {  	_ =	swait.ge @!p0 [sflag:s6], $0x4000  }
0x4d: {  	[sflag:s6] =	ssyncset.done @!p0 $0x0  }
0x4e: {  	s13 =	simm.s32 @!p0 $0x9C00;
	[sflag:s6] =	ssyncadd.s32 @!p0 $0xFFFFC000;
	s6 =	sadd.s32 @!p0 $0x100, s15  }
0x4f: {  	[tilespmem:s13], [sflag:$0x3] =	stream.indirect.gather @!p0 [hbm4b:s2+s28], $0x80, s6, s28, $0xb8;
	[tilespmem:$0x1DC00] =	vst v63  }
0x50: {  	s6 =	simm.s32 @!p0 $0xB  }
0x51: {  	_ =	swait.ge @!p0 [sflag:s6], $0x4000  }
0x52: {  	[sflag:s6] =	ssyncset.done @!p0 $0x0  }
0x53: {  	s13 =	simm.s32 @!p0 $0xDC00;
	[sflag:s6] =	ssyncadd.s32 @!p0 $0xFFFFC000;
	s6 =	sadd.s32 @!p0 $0x180, s15  }
0x54: {  	[tilespmem:s13], [sflag:$0x4] =	stream.indirect.gather @!p0 [hbm4b:s2+s28], $0x80, s6, s28, $0xb8;
	[tilespmem:$0x1DC00] =	vst v63  }
0x55: {  	s6 =	simm.s32 @!p0 $0xC  }
0x56: {  	_ =	swait.ge @!p0 [sflag:s6], $0x4000  }
0x57: {  	[sflag:s6] =	ssyncset.done @!p0 $0x0  }
0x58: {  	s13 =	simm.s32 @!p0 $0x11C00;
	[sflag:s6] =	ssyncadd.s32 @!p0 $0xFFFFC000;
	s6 =	sadd.s32 @!p0 $0x200, s15  }
0x59: {  	[tilespmem:s13], [sflag:$0x5] =	stream.indirect.gather @!p0 [hbm4b:s2+s28], $0x80, s6, s28, $0xb8;
	[tilespmem:$0x1DC00] =	vst v63  }
0x5a: {  	s6 =	simm.s32 @!p0 $0xD  }
0x5b: {  	_ =	swait.ge @!p0 [sflag:s6], $0x4000  }
0x5c: {  	[sflag:s6] =	ssyncset.done @!p0 $0x0  }
0x5d: {  	s13 =	simm.s32 @!p0 $0x15C00;
	[sflag:s6] =	ssyncadd.s32 @!p0 $0xFFFFC000;
	s6 =	sadd.s32 @!p0 $0x280, s15  }
0x5e: {  	[tilespmem:s13], [sflag:$0x6] =	stream.indirect.gather @!p0 [hbm4b:s2+s28], $0x80, s6, s28, $0xb8;
	[tilespmem:$0x1DC00] =	vst v63  }
0x5f: {  	s6 =	simm.s32 @!p0 $0xE  }
0x60: {  	_ =	swait.ge @!p0 [sflag:s6], $0x4000  }
0x61: {  	s14 =	simm.s32 @p0 $0x7;
	[sflag:s6] =	ssyncset.done @!p0 $0x0  }
0x62: {  	s13 =	simm.s32 @!p0 $0x19C00;
	[sflag:s6] =	ssyncadd.s32 @!p0 $0xFFFFC000;
	s6 =	sadd.s32 @!p0 $0x300, s15  }
0x63: {  	[tilespmem:s13], [sflag:$0x7] =	stream.indirect.gather @!p0 [hbm4b:s2+s28], $0x80, s6, s28, $0xb8;
	[tilespmem:$0x1DC00] =	vst v63  }
0x64: {  	s15 =	smul.u32 $0x380, s14;
	p0 =	sne.s32 s14, $0x7  }
.Ltmp0:
0x65: {  	_ = 	snop;
	(pc) =	sbr.rel @p0 .LBB2_2-.Ltmp0, $4  }
0x66: {  	_ =	swait.ge [sflag:s30], $0x4000;
	s28 =	sadd.s32 s5, s15  }
0x67: {  	[sflag:s30] =	ssyncset.done $0x0;
	s6 =	sshll.u32 s28, $0x4  }
0x68: {  	s13 =	smov.u32 s14;
	[sflag:s30] =	ssyncadd.s32 $0xFFFFC000;
	s6 =	sadd.s32 s3, s6  }
0x69: {  	[hbm4b:s6+s4] =	stream.linear.scatter [tilespmem:s17], [sflag:$0x8], $0x4000, $0x38;
	[tilespmem:$0x1DC00] =	vst v63  }
0x6a: {  	_ =	swait.ge [sflag:s25], $0x4000  }
0x6b: {  	[sflag:s25] =	ssyncset.done $0x0  }
0x6c: {  	s6 =	simm.s32 $0x9;
	[sflag:s25] =	ssyncadd.s32 $0xFFFFC000  }
0x6d: {  	_ =	swait.ge [sflag:s6], $0x4000  }
0x6e: {  	[sflag:s6] =	ssyncset.done $0x0  }
0x6f: {  	s28 =	simm.s32 $0xA;
	[sflag:s6] =	ssyncadd.s32 $0xFFFFC000  }
0x70: {  	_ =	swait.ge [sflag:s28], $0x4000  }
0x71: {  	[sflag:s28] =	ssyncset.done $0x0  }
0x72: {  	s13 =	simm.s32 $0xB;
	[sflag:s28] =	ssyncadd.s32 $0xFFFFC000  }
0x73: {  	_ =	swait.ge [sflag:s13], $0x4000  }
0x74: {  	[sflag:s13] =	ssyncset.done $0x0  }
0x75: {  	s14 =	simm.s32 $0xC;
	[sflag:s13] =	ssyncadd.s32 $0xFFFFC000  }
0x76: {  	_ =	swait.ge [sflag:s14], $0x4000  }
0x77: {  	[sflag:s14] =	ssyncset.done $0x0  }
0x78: {  	s15 =	simm.s32 $0xD;
	[sflag:s14] =	ssyncadd.s32 $0xFFFFC000  }
0x79: {  	_ =	swait.ge [sflag:s15], $0x4000  }
0x7a: {  	[sflag:s15] =	ssyncset.done $0x0  }
0x7b: {  	s13 =	simm.s32 $0xE;
	[sflag:s15] =	ssyncadd.s32 $0xFFFFC000  }
0x7c: {  	_ =	swait.ge [sflag:s13], $0x4000  }
0x7d: {  	s14 =	rddreg [dreg:$0x7]  }
0x7e: {  	s28 =	rddreg [dreg:$0x5];
	s14 =	sadd.s32 $0x1, s14  }
0x7f: {  	p0 =	sne.s32 s14, s28  }
.Ltmp1:
0x80: {  	_ = 	snop;
	(pc) =	sbr.rel @p0 .LBB2_1-.Ltmp1, $3  }
0x81: {  	_ =	sdelay $0x1  }
0x82: {  	[sflag:s13] =	ssyncset.done $0x0  }
0x83: {  	[sflag:s13] =	ssyncadd.s32 $0xFFFFC000  }
0x84: {  	_ =	sfence.sel $0x180000  }
0x85: {  	[bflag:$0x0] =	sbarrier.arrive $0xFFFF  }
0x86: {  	_ =	strace $0x90000047  }
0x87: {  	s0 =	stileid.u32;
	[bflag:$0x2] =	sbarrier.arrive $0xFFFF  }
0x88: {  	p0 =	sne.s32 s0, $0x0;
	s0 =	rddreg [dreg:$0x3]  }
0x89: {  	s0 =	sadd.s32 @!p0 $0x100000, s0  }
0x8a: {  	[sflag:s0] =	ssyncadd.tile.s32 @!p0 $0x1;
	_ =	shalt  }
.Lfunc_end2:
_tile_overlayer_lowered:
.L_overlay_start_2:
0x8b: {  	(tag) =	ssettag $0x2  }
0x8c: {  	s0 =	rddreg [dreg:$0x0];
	s2 =	stileid.u32  }
0x8d: {  	s1 =	rddreg [dreg:$0x1];
	p0 =	sne.s32 s2, $0x0  }
0x8e: {  	s3 =	rddreg [dreg:$0x2];
	[bflag:$0x3] =	sbarrier.arrive $0xFFFF;
	s2 =	simm.s32 @!p0 $0x1C0F  }
0x8f: {  	[timem:s3], [sflag:s2] =	dma.local @!p0 [hbm:s0], s1  }
0x90: {  	s0 =	simm.s32 @!p0 $0xF  }
0x91: {  	_ =	swait.ge @!p0 [sflag:s0], s1  }
0x92: {  	s1 =	ssub.s32 @!p0 $0x0, s1;
	[sflag:s0] =	ssyncset.done @!p0 $0x0  }
0x93: {  	[sflag:s0] =	ssyncadd.s32 @!p0 s1  }
0x94: {  	[bflag:$0x3] =	sbarrier.arrive $0xFFFF  }
0x95: {  	_ =	shalt  }

</sc_bundles>
